<compile_context>
chip_gen: v7x
topology: tpu7x:2x2x1
jax: 0.10.2.dev20260603
libtpu: 0.0.44.dev20260713+nightly
codegen_flags: <defaults>
</compile_context>

<pallas_src>
import functools

import jax
import jax.numpy as jnp
from jax import lax
from jax.experimental import pallas as pl
from jax.experimental.pallas import tpu as pltpu
from jax.experimental.pallas import tpu_sc as plsc

FEAT = 256
TOPK = 200
NCLASS = 1000
OUTPAD = 1024
TEMP = 0.07
GRP = 16
NGRP = 4096
GCAP = 512
SELCAP = 512
ROWS_PER_WORKER = 32
BISECT_ITERS = 26
NEG_BIG = -1e30
MARGIN = 4e-3


def _dist_body(x_ref, mem_ref, dist_ref, gmax_ref):
    x = x_ref[...]
    nrm = jnp.sqrt(jnp.sum(x * x, axis=1, keepdims=True))
    xn = x / jnp.maximum(nrm, 1e-12)
    d = lax.dot_general(
        xn, mem_ref[...], (((1,), (1,)), ((), ())),
        preferred_element_type=jnp.float32,
    )
    dist_ref[...] = d
    b, qb = d.shape
    m = d
    for s in (1, 2, 4, 8):
        m = jnp.maximum(m, pltpu.roll(m, qb - s, axis=1))
    gsel = (lax.broadcasted_iota(jnp.int32, (qb, qb // GRP), 0) ==
            GRP * lax.broadcasted_iota(jnp.int32, (qb, qb // GRP), 1)
            ).astype(jnp.float32)
    gmax_ref[0] = lax.dot_general(
        m, gsel, (((1,), (0,)), ((), ())),
        preferred_element_type=jnp.float32,
    )


def _compute_dist(x, memory, qblk):
    B = x.shape[0]
    Q = memory.shape[0]
    nqb = Q // qblk
    gpb = qblk // GRP
    dist, gmax3 = pl.pallas_call(
        _dist_body,
        grid=(nqb,),
        in_specs=[
            pl.BlockSpec((B, FEAT), lambda i: (0, 0)),
            pl.BlockSpec((qblk, FEAT), lambda i: (i, 0)),
        ],
        out_specs=[
            pl.BlockSpec((B, qblk), lambda i: (0, i)),
            pl.BlockSpec((1, B, gpb), lambda i: (i, 0, 0)),
        ],
        out_shape=[
            jax.ShapeDtypeStruct((B, Q), jnp.float32),
            jax.ShapeDtypeStruct((nqb, B, gpb), jnp.float32),
        ],
    )(x, memory)
    gmax = gmax3.transpose(1, 0, 2).reshape(B, Q // GRP)
    return dist, gmax


def _t0_body(gmax_ref, thr_ref, *, k):
    g = gmax_ref[...]

    def body(_, carry):
        lo, hi = carry
        mid = (lo + hi) * 0.5
        cnt = jnp.sum((g >= mid).astype(jnp.int32), axis=1, keepdims=True)
        ok = cnt >= k
        return jnp.where(ok, mid, lo), jnp.where(ok, hi, mid)

    b = g.shape[0]
    lo0 = jnp.full((b, 1), -2.0, jnp.float32)
    hi0 = jnp.full((b, 1), 2.0, jnp.float32)
    lo, _ = lax.fori_loop(0, BISECT_ITERS, body, (lo0, hi0))
    thr_ref[...] = lo


def _compute_t0(gmax, k):
    B, ng = gmax.shape
    return pl.pallas_call(
        functools.partial(_t0_body, k=k),
        in_specs=[pl.BlockSpec((B, ng), lambda: (0, 0))],
        out_specs=pl.BlockSpec((B, 1), lambda: (0, 0)),
        out_shape=jax.ShapeDtypeStruct((B, 1), jnp.float32),
    )(gmax)


def _sc_body(dist_hbm, gmax_hbm, t0_hbm, lab_hbm, out_hbm,
             t0_v, gmax_v, gidx_v, cand_v, clab_v, selv_v, sellab_v,
             pred_v, sem_d, sem_l, sem_s):
    wid = lax.axis_index("s") * 2 + lax.axis_index("c")
    base = wid * ROWS_PER_WORKER
    lane = lax.iota(jnp.int32, 16)
    zero16f = jnp.zeros((16,), jnp.float32)
    negbig16 = jnp.full((16,), NEG_BIG, jnp.float32)

    pltpu.sync_copy(t0_hbm.at[pl.ds(base, ROWS_PER_WORKER)],
                    t0_v.at[pl.ds(0, ROWS_PER_WORKER)])

    zero16i = jnp.zeros((16,), jnp.int32)

    def gi_init(i, _):
        gidx_v[pl.ds(i * 16, 16)] = zero16i
        return 0

    lax.fori_loop(0, GCAP // 16, gi_init, 0)

    def row_body(rr, _):
        r = base + rr
        pltpu.sync_copy(gmax_hbm.at[r], gmax_v)
        t0r = t0_v[pl.ds(rr, 16)][0]
        t0s = t0r - MARGIN
        tsc = t0r - 2.0 * MARGIN

        def scan_body(i, G):
            g = gmax_v[pl.ds(i * 16, 16)]
            mask = g >= tsc
            idx = lane + i * 16
            gidx_v[pl.ds(G, 16)] = plsc.sort_key_val(g, idx, descending=True)[1]
            cnt = plsc.all_reduce_population_count(mask)[0]
            return jnp.minimum(G + cnt, GCAP - 16)

        ng = lax.fori_loop(0, NGRP // 16, scan_body, jnp.int32(0))
        nch = (ng + 15) // 16

        def issue_body(ch, _):
            idxv = gidx_v[pl.ds(ch * 16, 16)]
            dst = pl.ds(ch * 16, 16)
            pltpu.make_async_copy(
                dist_hbm.at[idxv + r * NGRP], cand_v.at[dst], sem_d).start()
            pltpu.make_async_copy(
                lab_hbm.at[idxv], clab_v.at[dst], sem_l).start()
            return 0

        lax.fori_loop(0, nch, issue_body, 0)

        def selpad_body(i, _):
            selv_v[pl.ds(i * 16, 16)] = negbig16
            return 0

        lax.fori_loop(0, SELCAP // 16, selpad_body, 0)

        def drain_body(ch, _):
            idxv = gidx_v[pl.ds(ch * 16, 16)]
            dst = pl.ds(ch * 16, 16)
            pltpu.make_async_copy(
                dist_hbm.at[idxv + r * NGRP], cand_v.at[dst], sem_d).wait()
            pltpu.make_async_copy(
                lab_hbm.at[idxv], clab_v.at[dst], sem_l).wait()
            return 0

        lax.fori_loop(0, nch, drain_body, 0)

        def compact_body(g, carry):
            for s in range(GRP // 16):
                S, vmax = carry
                vv = cand_v[g, pl.ds(s * 16, 16)]
                lb = clab_v[g, pl.ds(s * 16, 16)]
                mask = vv >= t0s
                selv_v[pl.ds(S, 16)] = plsc.sort_key_val(vv, vv,
                                                         descending=True)[1]
                sellab_v[pl.ds(S, 16)] = plsc.sort_key_val(vv, lb,
                                                           descending=True)[1]
                cnt = plsc.all_reduce_population_count(mask)[0]
                carry = (jnp.minimum(S + cnt, SELCAP - 16),
                         jnp.maximum(vmax, vv))
            return carry

        nsel, vmax16 = lax.fori_loop(0, ng, compact_body,
                                     (jnp.int32(0), negbig16))
        nv = (nsel + 15) // 16
        hi0 = jnp.max(vmax16) + 1e-3

        def bis_body(_, carry):
            lo, hi = carry
            mid = (lo + hi) * 0.5

            def cnt_body(j, c):
                vv = selv_v[pl.ds(j * 16, 16)]
                return c + jnp.where(vv >= mid, 1, 0)

            cvec = lax.fori_loop(0, nv, cnt_body, jnp.zeros((16,), jnp.int32))
            cnt = jnp.sum(cvec)
            ok = cnt >= TOPK
            return (jnp.where(ok, mid, lo), jnp.where(ok, hi, mid))

        lo, _ = lax.fori_loop(0, BISECT_ITERS, bis_body, (t0s, hi0))

        def zero_body(i, _):
            pred_v[pl.ds(i * 16, 16)] = zero16f
            return 0

        lax.fori_loop(0, OUTPAD // 16, zero_body, 0)

        def scat_body(j, _):
            vv = selv_v[pl.ds(j * 16, 16)]
            lb = sellab_v[pl.ds(j * 16, 16)]
            mask = vv >= lo
            w = jnp.where(mask, jnp.exp(vv * (1.0 / TEMP)), 0.0)
            lbm = jnp.where(mask, lb, 0)
            plsc.addupdate_scatter(pred_v, [lbm], w)
            return 0

        lax.fori_loop(0, nv, scat_body, 0)

        pltpu.sync_copy(pred_v, out_hbm.at[r])
        return 0

    lax.fori_loop(0, ROWS_PER_WORKER, row_body, 0)


def _sc_select_scatter(dist, gmax, t0, labels):
    B, Q = dist.shape
    dist_g = dist.reshape(B * NGRP, GRP)
    lab_g = labels.reshape(NGRP, GRP)
    t0_flat = t0.reshape(B)
    mesh = plsc.VectorSubcoreMesh(core_axis_name="c", subcore_axis_name="s")
    run = functools.partial(
        pl.kernel,
        mesh=mesh,
        compiler_params=pltpu.CompilerParams(needs_layout_passes=False,
                                             use_tc_tiling_on_sc=False),
        out_type=jax.ShapeDtypeStruct((B, OUTPAD), jnp.float32),
        scratch_types=[
            pltpu.VMEM((ROWS_PER_WORKER + 16,), jnp.float32),
            pltpu.VMEM((NGRP,), jnp.float32),
            pltpu.VMEM((GCAP,), jnp.int32),
            pltpu.VMEM((GCAP, GRP), jnp.float32),
            pltpu.VMEM((GCAP, GRP), jnp.int32),
            pltpu.VMEM((SELCAP,), jnp.float32),
            pltpu.VMEM((SELCAP,), jnp.int32),
            pltpu.VMEM((OUTPAD,), jnp.float32),
            pltpu.SemaphoreType.DMA,
            pltpu.SemaphoreType.DMA,
            pltpu.SemaphoreType.DMA,
        ],
    )(_sc_body)
    return run(dist_g, gmax, t0_flat, lab_g)


def kernel(x, memory, memory_label):
    dist, gmax = _compute_dist(x, memory, qblk=2048)
    t0 = _compute_t0(gmax, k=TOPK)
    scores = _sc_select_scatter(dist, gmax, t0, memory_label)
    return scores[:, :NCLASS]

# --- scband reference (transcript-rebuilt; emitter-appended) ---
"""Pipeline reference for scband-momentum-queue-88553635709439 (READ-ONLY COPY).

The authoritative reference and input builder live on the scoring server;
editing this copy changes nothing except your own understanding.
"""

import jax, jax.numpy as jnp
import numpy as np

FEATURE_DIM = 256
QUEUE_SIZE = 65536
TEMPERATURE = 0.07
K = 200
CLASSES = 1000
BATCH = 1024


def setup_inputs(seed: int = 0) -> dict:
    key = jax.random.key(seed)
    k1, k2, k3 = jax.random.split(key, 3)
    x = jax.random.normal(k1, (BATCH, FEATURE_DIM), dtype=jnp.float32)
    stdv = 1.0 / np.sqrt(FEATURE_DIM / 3.0)
    memory = jax.random.uniform(k2, (QUEUE_SIZE, FEATURE_DIM), dtype=jnp.float32) * (2.0 * stdv) - stdv
    memory_label = jax.random.randint(k3, (QUEUE_SIZE,), 0, CLASSES, dtype=jnp.int32)
    return {"x": x, "memory": memory, "memory_label": memory_label}


def reference(x, memory, memory_label):
    # F.normalize(x): L2-normalize rows with eps clamp
    x_norm = x / jnp.clip(jnp.linalg.norm(x, axis=1, keepdims=True), 1e-12, None)
    # cosine similarity against the full memory bank
    dist = x_norm @ memory.T  # [B, Q]
    # eps_ball = 1.1 > 1, so the eps-ball branch is skipped; standard weighted-kNN path:
    sim_weight, sim_indices = jax.lax.top_k(dist, K)  # [B, K]
    # gather neighbor labels from the memory label bank
    sim_labels = jnp.take(memory_label, sim_indices, axis=0)  # [B, K]
    # temperature-scaled exponential weights
    sim_weight = jnp.exp(sim_weight / TEMPERATURE)  # [B, K]
    # scatter one-hot class votes and weight-sum -> class scores
    one_hot_label = jax.nn.one_hot(sim_labels, CLASSES, dtype=sim_weight.dtype)  # [B, K, C]
    pred_scores = jnp.sum(one_hot_label * sim_weight[..., None], axis=1)  # [B, C]
    return pred_scores

if __name__ == "__main__":
    import jax
    _d = setup_inputs()
    print(jax.jit(kernel)(*tuple(_d.values())))

</pallas_src>

<mosaic_0001>
#map = affine_map<(d0, d1) -> (0, 0)>
#map1 = affine_map<(d0, d1) -> (0)>
module attributes {stable_mosaic.version = 14 : i64} {
  func.func @_sc_body(%arg0: i32, %arg1: i32, %arg2: memref<4194304x16xf32, #tpu.memory_space<hbm>>, %arg3: memref<1024x4096xf32, #tpu.memory_space<hbm>>, %arg4: memref<1024xf32, #tpu.memory_space<hbm>>, %arg5: memref<4096x16xi32, #tpu.memory_space<hbm>>, %arg6: memref<1024x1024xf32, #tpu.memory_space<hbm>>, %arg7: memref<48xf32, #tpu.memory_space<vmem>>, %arg8: memref<4096xf32, #tpu.memory_space<vmem>>, %arg9: memref<512xi32, #tpu.memory_space<vmem>>, %arg10: memref<512x16xf32, #tpu.memory_space<vmem>>, %arg11: memref<512x16xi32, #tpu.memory_space<vmem>>, %arg12: memref<512xf32, #tpu.memory_space<vmem>>, %arg13: memref<512xi32, #tpu.memory_space<vmem>>, %arg14: memref<1024xf32, #tpu.memory_space<vmem>>, %arg15: memref<!tpu.dma_semaphore, #tpu.memory_space<semaphore_mem>>, %arg16: memref<!tpu.dma_semaphore, #tpu.memory_space<semaphore_mem>>, %arg17: memref<!tpu.dma_semaphore, #tpu.memory_space<semaphore_mem>>) attributes {dimension_semantics = [#tpu.dimension_semantics<core_parallel>, #tpu.dimension_semantics<subcore_parallel>], iteration_bounds = array<i64: 2, 16>, scalar_prefetch = 0 : i64, scratch_operands = 11 : i64, tpu.core_type = #tpu.core_type<sc_vector_subcore>, window_params = [{transform_indices = #map}, {transform_indices = #map}, {transform_indices = #map1}, {transform_indices = #map}, {transform_indices = #map}]} {
    %mul3A = arith.constant 2 : i32
    %mul3A_0 = arith.muli %arg1, %mul3A : i32
    %add3A = arith.addi %mul3A_0, %arg0 : i32
    %mul3A_1 = arith.constant 32 : i32
    %mul3A_2 = arith.muli %add3A, %mul3A_1 : i32
    %iota3A = tpu.iota {dimensions = array<i32: 0>} : vector<16xi32>
    %broadcast_in_dim3A = arith.constant 0.000000e+00 : f32
    %broadcast_in_dim3A_3 = vector.broadcast %broadcast_in_dim3A : f32 to vector<16xf32>
    %broadcast_in_dim3A_4 = arith.constant -1.000000e+30 : f32
    %broadcast_in_dim3A_5 = vector.broadcast %broadcast_in_dim3A_4 : f32 to vector<16xf32>
    "tpu.region"() ({
      %run_scoped3A = tpu.sem_alloc : memref<!tpu.dma_semaphore, #tpu.memory_space<semaphore_mem>>
      %dma_start3A = arith.constant 0 : i32
      %dma_start3A_21 = tpu.memref_slice %arg7[%dma_start3A] : memref<48xf32, #tpu.memory_space<vmem>> -> memref<32xf32, #tpu.memory_space<vmem>>
      %dma_start3A_22 = tpu.memref_slice %arg4[%mul3A_2] : memref<1024xf32, #tpu.memory_space<hbm>> -> memref<32xf32, #tpu.memory_space<hbm>>
      %dma_start3A_23 = arith.constant 0 : i32
      %dma_start3A_24 = tpu.memref_slice %arg7[%dma_start3A_23] : memref<48xf32, #tpu.memory_space<vmem>> -> memref<32xf32, #tpu.memory_space<vmem>>
      %dma_start3A_25 = tpu.memref_slice %arg4[%mul3A_2] : memref<1024xf32, #tpu.memory_space<hbm>> -> memref<32xf32, #tpu.memory_space<hbm>>
      tpu.enqueue_dma source(%dma_start3A_25 : memref<32xf32, #tpu.memory_space<hbm>>) target(%dma_start3A_24 : memref<32xf32, #tpu.memory_space<vmem>>) target_semaphore(%run_scoped3A : memref<!tpu.dma_semaphore, #tpu.memory_space<semaphore_mem>>)
      %dma_wait3A = arith.constant 0 : i32
      %dma_wait3A_26 = tpu.memref_slice %arg7[%dma_wait3A] : memref<48xf32, #tpu.memory_space<vmem>> -> memref<32xf32, #tpu.memory_space<vmem>>
      %dma_wait3A_27 = tpu.memref_slice %arg4[%mul3A_2] : memref<1024xf32, #tpu.memory_space<hbm>> -> memref<32xf32, #tpu.memory_space<hbm>>
      %dma_wait3A_28 = arith.constant 0 : i32
      %dma_wait3A_29 = tpu.memref_slice %arg7[%dma_wait3A_28] : memref<48xf32, #tpu.memory_space<vmem>> -> memref<32xf32, #tpu.memory_space<vmem>>
      %dma_wait3A_30 = tpu.memref_slice %arg4[%mul3A_2] : memref<1024xf32, #tpu.memory_space<hbm>> -> memref<32xf32, #tpu.memory_space<hbm>>
      tpu.wait_dma2 semaphore(%run_scoped3A : memref<!tpu.dma_semaphore, #tpu.memory_space<semaphore_mem>>) src(%dma_wait3A_30 : memref<32xf32, #tpu.memory_space<hbm>>) dst(%dma_wait3A_29 : memref<32xf32, #tpu.memory_space<vmem>>)
      tpu.yield
    }) : () -> ()
    %broadcast_in_dim3A_6 = arith.constant 0 : i32
    %broadcast_in_dim3A_7 = vector.broadcast %broadcast_in_dim3A_6 : i32 to vector<16xi32>
    %scan3A = arith.constant 0 : i32
    %scan3A_8 = arith.constant 0 : i32
    %scan3A_9 = arith.constant 32 : i32
    %scan3A_10 = arith.addi %scan3A_8, %scan3A_9 : i32
    %scan3A_11 = arith.constant 1 : i32
    %scan3A_12 = scf.for %scan3A_21 = %scan3A_8 to %scan3A_10 step %scan3A_11 iter_args(%scan3A_22 = %scan3A) -> (i32)  : i32 {
      %mul3A_23 = arith.constant 16 : i32
      %mul3A_24 = arith.muli %scan3A_21, %mul3A_23 : i32
      %swap3A = arith.index_cast %mul3A_24 : i32 to index
      %swap3A_25 = tpu.vector_load %arg9[%swap3A] {strides = array<i32>} : memref<512xi32, #tpu.memory_space<vmem>>, vector<16xi32>,
      tpu.vector_store %arg9[%swap3A], %broadcast_in_dim3A_7 {strides = array<i32>} : memref<512xi32, #tpu.memory_space<vmem>>, vector<16xi32>,
      %scan3A_26 = arith.constant 0 : i32
      scf.yield %scan3A_26 : i32
    }
    %scan3A_13 = arith.constant 32 : i32
    %scan3A_14 = arith.constant 0 : i32
    %scan3A_15 = arith.constant 0 : i32
    %scan3A_16 = arith.constant 32 : i32
    %scan3A_17 = arith.addi %scan3A_15, %scan3A_16 : i32
    %scan3A_18 = arith.constant 1 : i32
    %scan3A_19 = scf.for %scan3A_21 = %scan3A_15 to %scan3A_17 step %scan3A_18 iter_args(%scan3A_22 = %scan3A_14) -> (i32)  : i32 {
      %add3A_23 = arith.addi %mul3A_2, %scan3A_21 : i32
      "tpu.region"() ({
        %run_scoped3A = tpu.sem_alloc : memref<!tpu.dma_semaphore, #tpu.memory_space<semaphore_mem>>
        %dma_start3A = arith.constant 0 : i32
        %dma_start3A_153 = tpu.memref_slice %arg3[%add3A_23, %dma_start3A] : memref<1024x4096xf32, #tpu.memory_space<hbm>> -> memref<1x4096xf32, #tpu.memory_space<hbm>>
        %dma_start3A_154 = tpu.memref_squeeze %dma_start3A_153 : memref<1x4096xf32, #tpu.memory_space<hbm>> -> memref<4096xf32, #tpu.memory_space<hbm>>
        %dma_start3A_155 = arith.constant 0 : i32
        %dma_start3A_156 = tpu.memref_slice %arg3[%add3A_23, %dma_start3A_155] : memref<1024x4096xf32, #tpu.memory_space<hbm>> -> memref<1x4096xf32, #tpu.memory_space<hbm>>
        %dma_start3A_157 = tpu.memref_squeeze %dma_start3A_156 : memref<1x4096xf32, #tpu.memory_space<hbm>> -> memref<4096xf32, #tpu.memory_space<hbm>>
        tpu.enqueue_dma source(%dma_start3A_157 : memref<4096xf32, #tpu.memory_space<hbm>>) target(%arg8 : memref<4096xf32, #tpu.memory_space<vmem>>) target_semaphore(%run_scoped3A : memref<!tpu.dma_semaphore, #tpu.memory_space<semaphore_mem>>)
        %dma_wait3A = arith.constant 0 : i32
        %dma_wait3A_158 = tpu.memref_slice %arg3[%add3A_23, %dma_wait3A] : memref<1024x4096xf32, #tpu.memory_space<hbm>> -> memref<1x4096xf32, #tpu.memory_space<hbm>>
        %dma_wait3A_159 = tpu.memref_squeeze %dma_wait3A_158 : memref<1x4096xf32, #tpu.memory_space<hbm>> -> memref<4096xf32, #tpu.memory_space<hbm>>
        %dma_wait3A_160 = arith.constant 0 : i32
        %dma_wait3A_161 = tpu.memref_slice %arg3[%add3A_23, %dma_wait3A_160] : memref<1024x4096xf32, #tpu.memory_space<hbm>> -> memref<1x4096xf32, #tpu.memory_space<hbm>>
        %dma_wait3A_162 = tpu.memref_squeeze %dma_wait3A_161 : memref<1x4096xf32, #tpu.memory_space<hbm>> -> memref<4096xf32, #tpu.memory_space<hbm>>
        tpu.wait_dma2 semaphore(%run_scoped3A : memref<!tpu.dma_semaphore, #tpu.memory_space<semaphore_mem>>) src(%dma_wait3A_162 : memref<4096xf32, #tpu.memory_space<hbm>>) dst(%arg8 : memref<4096xf32, #tpu.memory_space<vmem>>)
        tpu.yield
      }) : () -> ()
      %get3A = arith.index_cast %scan3A_21 : i32 to index
      %get3A_24 = tpu.vector_load %arg7[%get3A] {strides = array<i32>} : memref<48xf32, #tpu.memory_space<vmem>>, vector<16xf32>,
      %slice3A = vector.extract_strided_slice %get3A_24 {offsets = [0], sizes = [1], strides = [1]} : vector<16xf32> to vector<1xf32>
      %squeeze3A = vector.extract %slice3A[0] : f32 from vector<1xf32>
      %sub3A = arith.constant 4.000000e-03 : f32
      %sub3A_25 = arith.subf %squeeze3A, %sub3A : f32
      %sub3A_26 = arith.constant 8.000000e-03 : f32
      %sub3A_27 = arith.subf %squeeze3A, %sub3A_26 : f32
      %scan3A_28 = arith.constant 0 : i32
      %scan3A_29 = arith.constant 0 : i32
      %scan3A_30 = arith.constant 256 : i32
      %scan3A_31 = arith.addi %scan3A_29, %scan3A_30 : i32
      %scan3A_32 = arith.constant 1 : i32
      %scan3A_33 = scf.for %scan3A_153 = %scan3A_29 to %scan3A_31 step %scan3A_32 iter_args(%scan3A_154 = %scan3A_28) -> (i32)  : i32 {
        %mul3A_155 = arith.constant 16 : i32
        %mul3A_156 = arith.muli %scan3A_153, %mul3A_155 : i32
        %get3A_157 = arith.index_cast %mul3A_156 : i32 to index
        %get3A_158 = tpu.vector_load %arg8[%get3A_157] {strides = array<i32>} : memref<4096xf32, #tpu.memory_space<vmem>>, vector<16xf32>,
        %ge3A = vector.broadcast %sub3A_27 : f32 to vector<16xf32>
        %ge3A_159 = arith.cmpf oge, %get3A_158, %ge3A : vector<16xf32>
        %mul3A_160 = arith.constant 16 : i32
        %mul3A_161 = arith.muli %scan3A_153, %mul3A_160 : i32
        %add3A_162 = vector.broadcast %mul3A_161 : i32 to vector<16xi32>
        %add3A_163 = arith.addi %iota3A, %add3A_162 : vector<16xi32>
        %masked_sort3A = arith.constant dense<true> : vector<16xi1>
        %masked_sort3A_164, %masked_sort3A_165, %masked_sort3A_166 = tpu.sort %get3A_158, %add3A_163 masked %masked_sort3A {descending = true} : (vector<16xf32>, vector<16xi32>, vector<16xi1>) -> (vector<16xi1>, vector<16xf32>, vector<16xi32>)
        %swap3A = arith.index_cast %scan3A_154 : i32 to index
        %swap3A_167 = tpu.vector_load %arg9[%swap3A] {strides = array<i32>} : memref<512xi32, #tpu.memory_space<vmem>>, vector<16xi32>,
        tpu.vector_store %arg9[%swap3A], %masked_sort3A_166 {strides = array<i32>} : memref<512xi32, #tpu.memory_space<vmem>>, vector<16xi32>,
        %all_reduce_population_count3A = tpu.all_reduce %ge3A_159 {dim = 0 : i64, kind = #tpu.reduction_kind<sum>} : vector<16xi1> -> vector<16xi32>
        %slice3A_168 = vector.extract_strided_slice %all_reduce_population_count3A {offsets = [0], sizes = [1], strides = [1]} : vector<16xi32> to vector<1xi32>
        %squeeze3A_169 = vector.extract %slice3A_168[0] : i32 from vector<1xi32>
        %add3A_170 = arith.addi %scan3A_154, %squeeze3A_169 : i32
        %min3A = arith.constant 496 : i32
        %min3A_171 = arith.minsi %add3A_170, %min3A : i32
        scf.yield %min3A_171 : i32
      }
      %scan3A_34 = arith.constant 256 : i32
      %add3A_35 = arith.constant 15 : i32
      %add3A_36 = arith.addi %scan3A_33, %add3A_35 : i32
      %jit3A = arith.constant 16 : i32
      %div3A = arith.divsi %add3A_36, %jit3A : i32
      %sign3A = arith.constant 0 : i32
      %sign3A_37 = arith.cmpi sgt, %add3A_36, %sign3A : i32
      %sign3A_38 = arith.extui %sign3A_37 : i1 to i32
      %sign3A_39 = arith.constant 0 : i32
      %sign3A_40 = arith.cmpi slt, %add3A_36, %sign3A_39 : i32
      %sign3A_41 = arith.extui %sign3A_40 : i1 to i32
      %sign3A_42 = arith.subi %sign3A_38, %sign3A_41 : i32
      %sign3A_43 = arith.constant 0 : i32
      %sign3A_44 = arith.cmpi sgt, %jit3A, %sign3A_43 : i32
      %sign3A_45 = arith.extui %sign3A_44 : i1 to i32
      %sign3A_46 = arith.constant 0 : i32
      %sign3A_47 = arith.cmpi slt, %jit3A, %sign3A_46 : i32
      %sign3A_48 = arith.extui %sign3A_47 : i1 to i32
      %sign3A_49 = arith.subi %sign3A_45, %sign3A_48 : i32
      %ne3A = arith.cmpi ne, %sign3A_42, %sign3A_49 : i32
      %rem3A = arith.remsi %add3A_36, %jit3A : i32
      %ne3A_50 = arith.constant 0 : i32
      %ne3A_51 = arith.cmpi ne, %rem3A, %ne3A_50 : i32
      %and3A = arith.andi %ne3A, %ne3A_51 : i1
      %sub3A_52 = arith.constant 1 : i32
      %sub3A_53 = arith.subi %div3A, %sub3A_52 : i32
      %select_n3A = arith.select %and3A, %sub3A_53, %div3A : i32
      %while3A = arith.constant 0 : i32
      %while3A_54 = arith.constant 0 : i32
      %while3A_55 = arith.subi %select_n3A, %while3A : i32
      %while3A_56 = arith.addi %while3A, %while3A_55 : i32
      %while3A_57 = arith.constant 1 : i32
      %while3A_58 = arith.divsi %while3A_55, %while3A_57 : i32
      %while3A_59 = arith.muli %while3A_58, %while3A_57 : i32
      %while3A_60 = arith.addi %while3A, %while3A_59 : i32
      %while3A_61 = arith.constant 1 : i32
      %while3A_62 = scf.for %while3A_153 = %while3A to %while3A_60 step %while3A_61 iter_args(%while3A_154 = %while3A_54) -> (i32)  : i32 {
        %mul3A_155 = arith.constant 16 : i32
        %mul3A_156 = arith.muli %while3A_153, %mul3A_155 : i32
        %get3A_157 = arith.index_cast %mul3A_156 : i32 to index
        %get3A_158 = tpu.vector_load %arg9[%get3A_157] {strides = array<i32>} : memref<512xi32, #tpu.memory_space<vmem>>, vector<16xi32>,
        %mul3A_159 = arith.constant 16 : i32
        %mul3A_160 = arith.muli %while3A_153, %mul3A_159 : i32
        %mul3A_161 = arith.constant 4096 : i32
        %mul3A_162 = arith.muli %add3A_23, %mul3A_161 : i32
        %add3A_163 = vector.broadcast %mul3A_162 : i32 to vector<16xi32>
        %add3A_164 = arith.addi %get3A_158, %add3A_163 : vector<16xi32>
        %dma_start3A = arith.constant 0 : i32
        %dma_start3A_165 = tpu.memref_slice %arg10[%mul3A_160, %dma_start3A] : memref<512x16xf32, #tpu.memory_space<vmem>> -> memref<16x16xf32, #tpu.memory_space<vmem>>
        %dma_start3A_166 = arith.constant 0 : i32
        %dma_start3A_167 = arith.constant 0 : i32
        %dma_start3A_168 = tpu.memref_slice %arg2[%dma_start3A_166, %dma_start3A_167] : memref<4194304x16xf32, #tpu.memory_space<hbm>> -> memref<4194304x16xf32, #tpu.memory_space<hbm>>
        tpu.enqueue_indirect_dma source(%dma_start3A_168 : memref<4194304x16xf32, #tpu.memory_space<hbm>>) target(%dma_start3A_165 : memref<16x16xf32, #tpu.memory_space<vmem>>) offsets(%add3A_164 : vector<16xi32>) semaphore(%arg15 : memref<!tpu.dma_semaphore, #tpu.memory_space<semaphore_mem>>)
        %dma_start3A_169 = arith.constant 0 : i32
        %dma_start3A_170 = tpu.memref_slice %arg11[%mul3A_160, %dma_start3A_169] : memref<512x16xi32, #tpu.memory_space<vmem>> -> memref<16x16xi32, #tpu.memory_space<vmem>>
        %dma_start3A_171 = arith.constant 0 : i32
        %dma_start3A_172 = arith.constant 0 : i32
        %dma_start3A_173 = tpu.memref_slice %arg5[%dma_start3A_171, %dma_start3A_172] : memref<4096x16xi32, #tpu.memory_space<hbm>> -> memref<4096x16xi32, #tpu.memory_space<hbm>>
        tpu.enqueue_indirect_dma source(%dma_start3A_173 : memref<4096x16xi32, #tpu.memory_space<hbm>>) target(%dma_start3A_170 : memref<16x16xi32, #tpu.memory_space<vmem>>) offsets(%get3A_158 : vector<16xi32>) semaphore(%arg16 : memref<!tpu.dma_semaphore, #tpu.memory_space<semaphore_mem>>)
        %while3A_174 = arith.constant 0 : i32
        scf.yield %while3A_174 : i32
      }
      %while3A_63 = arith.constant 1 : i32
      %while3A_64 = scf.for %while3A_153 = %while3A_60 to %while3A_56 step %while3A_63 iter_args(%while3A_154 = %while3A_62) -> (i32)  : i32 {
        %mul3A_155 = arith.constant 16 : i32
        %mul3A_156 = arith.muli %while3A_153, %mul3A_155 : i32
        %get3A_157 = arith.index_cast %mul3A_156 : i32 to index
        %get3A_158 = tpu.vector_load %arg9[%get3A_157] {strides = array<i32>} : memref<512xi32, #tpu.memory_space<vmem>>, vector<16xi32>,
        %mul3A_159 = arith.constant 16 : i32
        %mul3A_160 = arith.muli %while3A_153, %mul3A_159 : i32
        %mul3A_161 = arith.constant 4096 : i32
        %mul3A_162 = arith.muli %add3A_23, %mul3A_161 : i32
        %add3A_163 = vector.broadcast %mul3A_162 : i32 to vector<16xi32>
        %add3A_164 = arith.addi %get3A_158, %add3A_163 : vector<16xi32>
        %dma_start3A = arith.constant 0 : i32
        %dma_start3A_165 = tpu.memref_slice %arg10[%mul3A_160, %dma_start3A] : memref<512x16xf32, #tpu.memory_space<vmem>> -> memref<16x16xf32, #tpu.memory_space<vmem>>
        %dma_start3A_166 = arith.constant 0 : i32
        %dma_start3A_167 = arith.constant 0 : i32
        %dma_start3A_168 = tpu.memref_slice %arg2[%dma_start3A_166, %dma_start3A_167] : memref<4194304x16xf32, #tpu.memory_space<hbm>> -> memref<4194304x16xf32, #tpu.memory_space<hbm>>
        tpu.enqueue_indirect_dma source(%dma_start3A_168 : memref<4194304x16xf32, #tpu.memory_space<hbm>>) target(%dma_start3A_165 : memref<16x16xf32, #tpu.memory_space<vmem>>) offsets(%add3A_164 : vector<16xi32>) semaphore(%arg15 : memref<!tpu.dma_semaphore, #tpu.memory_space<semaphore_mem>>)
        %dma_start3A_169 = arith.constant 0 : i32
        %dma_start3A_170 = tpu.memref_slice %arg11[%mul3A_160, %dma_start3A_169] : memref<512x16xi32, #tpu.memory_space<vmem>> -> memref<16x16xi32, #tpu.memory_space<vmem>>
        %dma_start3A_171 = arith.constant 0 : i32
        %dma_start3A_172 = arith.constant 0 : i32
        %dma_start3A_173 = tpu.memref_slice %arg5[%dma_start3A_171, %dma_start3A_172] : memref<4096x16xi32, #tpu.memory_space<hbm>> -> memref<4096x16xi32, #tpu.memory_space<hbm>>
        tpu.enqueue_indirect_dma source(%dma_start3A_173 : memref<4096x16xi32, #tpu.memory_space<hbm>>) target(%dma_start3A_170 : memref<16x16xi32, #tpu.memory_space<vmem>>) offsets(%get3A_158 : vector<16xi32>) semaphore(%arg16 : memref<!tpu.dma_semaphore, #tpu.memory_space<semaphore_mem>>)
        %while3A_174 = arith.constant 0 : i32
        scf.yield %while3A_174 : i32
      }
      %scan3A_65 = arith.constant 0 : i32
      %scan3A_66 = arith.constant 0 : i32
      %scan3A_67 = arith.constant 32 : i32
      %scan3A_68 = arith.addi %scan3A_66, %scan3A_67 : i32
      %scan3A_69 = arith.constant 1 : i32
      %scan3A_70 = scf.for %scan3A_153 = %scan3A_66 to %scan3A_68 step %scan3A_69 iter_args(%scan3A_154 = %scan3A_65) -> (i32)  : i32 {
        %mul3A_155 = arith.constant 16 : i32
        %mul3A_156 = arith.muli %scan3A_153, %mul3A_155 : i32
        %swap3A = arith.index_cast %mul3A_156 : i32 to index
        %swap3A_157 = tpu.vector_load %arg12[%swap3A] {strides = array<i32>} : memref<512xf32, #tpu.memory_space<vmem>>, vector<16xf32>,
        tpu.vector_store %arg12[%swap3A], %broadcast_in_dim3A_5 {strides = array<i32>} : memref<512xf32, #tpu.memory_space<vmem>>, vector<16xf32>,
        %scan3A_158 = arith.constant 0 : i32
        scf.yield %scan3A_158 : i32
      }
      %scan3A_71 = arith.constant 32 : i32
      %while3A_72 = arith.constant 0 : i32
      %while3A_73 = arith.constant 0 : i32
      %while3A_74 = arith.subi %select_n3A, %while3A_72 : i32
      %while3A_75 = arith.addi %while3A_72, %while3A_74 : i32
      %while3A_76 = arith.constant 1 : i32
      %while3A_77 = arith.divsi %while3A_74, %while3A_76 : i32
      %while3A_78 = arith.muli %while3A_77, %while3A_76 : i32
      %while3A_79 = arith.addi %while3A_72, %while3A_78 : i32
      %while3A_80 = arith.constant 1 : i32
      %while3A_81 = scf.for %while3A_153 = %while3A_72 to %while3A_79 step %while3A_80 iter_args(%while3A_154 = %while3A_73) -> (i32)  : i32 {
        %mul3A_155 = arith.constant 16 : i32
        %mul3A_156 = arith.muli %while3A_153, %mul3A_155 : i32
        %get3A_157 = arith.index_cast %mul3A_156 : i32 to index
        %get3A_158 = tpu.vector_load %arg9[%get3A_157] {strides = array<i32>} : memref<512xi32, #tpu.memory_space<vmem>>, vector<16xi32>,
        %mul3A_159 = arith.constant 16 : i32
        %mul3A_160 = arith.muli %while3A_153, %mul3A_159 : i32
        %mul3A_161 = arith.constant 4096 : i32
        %mul3A_162 = arith.muli %add3A_23, %mul3A_161 : i32
        %add3A_163 = vector.broadcast %mul3A_162 : i32 to vector<16xi32>
        %add3A_164 = arith.addi %get3A_158, %add3A_163 : vector<16xi32>
        %dma_wait3A = arith.constant 0 : i32
        %dma_wait3A_165 = tpu.memref_slice %arg10[%mul3A_160, %dma_wait3A] : memref<512x16xf32, #tpu.memory_space<vmem>> -> memref<16x16xf32, #tpu.memory_space<vmem>>
        %dma_wait3A_166 = arith.constant 0 : i32
        %dma_wait3A_167 = arith.constant 0 : i32
        %dma_wait3A_168 = tpu.memref_slice %arg2[%dma_wait3A_166, %dma_wait3A_167] : memref<4194304x16xf32, #tpu.memory_space<hbm>> -> memref<4194304x16xf32, #tpu.memory_space<hbm>>
        tpu.wait_indirect_dma semaphore(%arg15 : memref<!tpu.dma_semaphore, #tpu.memory_space<semaphore_mem>>) src(%dma_wait3A_168 : memref<4194304x16xf32, #tpu.memory_space<hbm>>) dst(%dma_wait3A_165 : memref<16x16xf32, #tpu.memory_space<vmem>>)
        %dma_wait3A_169 = arith.constant 0 : i32
        %dma_wait3A_170 = tpu.memref_slice %arg11[%mul3A_160, %dma_wait3A_169] : memref<512x16xi32, #tpu.memory_space<vmem>> -> memref<16x16xi32, #tpu.memory_space<vmem>>
        %dma_wait3A_171 = arith.constant 0 : i32
        %dma_wait3A_172 = arith.constant 0 : i32
        %dma_wait3A_173 = tpu.memref_slice %arg5[%dma_wait3A_171, %dma_wait3A_172] : memref<4096x16xi32, #tpu.memory_space<hbm>> -> memref<4096x16xi32, #tpu.memory_space<hbm>>
        tpu.wait_indirect_dma semaphore(%arg16 : memref<!tpu.dma_semaphore, #tpu.memory_space<semaphore_mem>>) src(%dma_wait3A_173 : memref<4096x16xi32, #tpu.memory_space<hbm>>) dst(%dma_wait3A_170 : memref<16x16xi32, #tpu.memory_space<vmem>>)
        %while3A_174 = arith.constant 0 : i32
        scf.yield %while3A_174 : i32
      }
      %while3A_82 = arith.constant 1 : i32
      %while3A_83 = scf.for %while3A_153 = %while3A_79 to %while3A_75 step %while3A_82 iter_args(%while3A_154 = %while3A_81) -> (i32)  : i32 {
        %mul3A_155 = arith.constant 16 : i32
        %mul3A_156 = arith.muli %while3A_153, %mul3A_155 : i32
        %get3A_157 = arith.index_cast %mul3A_156 : i32 to index
        %get3A_158 = tpu.vector_load %arg9[%get3A_157] {strides = array<i32>} : memref<512xi32, #tpu.memory_space<vmem>>, vector<16xi32>,
        %mul3A_159 = arith.constant 16 : i32
        %mul3A_160 = arith.muli %while3A_153, %mul3A_159 : i32
        %mul3A_161 = arith.constant 4096 : i32
        %mul3A_162 = arith.muli %add3A_23, %mul3A_161 : i32
        %add3A_163 = vector.broadcast %mul3A_162 : i32 to vector<16xi32>
        %add3A_164 = arith.addi %get3A_158, %add3A_163 : vector<16xi32>
        %dma_wait3A = arith.constant 0 : i32
        %dma_wait3A_165 = tpu.memref_slice %arg10[%mul3A_160, %dma_wait3A] : memref<512x16xf32, #tpu.memory_space<vmem>> -> memref<16x16xf32, #tpu.memory_space<vmem>>
        %dma_wait3A_166 = arith.constant 0 : i32
        %dma_wait3A_167 = arith.constant 0 : i32
        %dma_wait3A_168 = tpu.memref_slice %arg2[%dma_wait3A_166, %dma_wait3A_167] : memref<4194304x16xf32, #tpu.memory_space<hbm>> -> memref<4194304x16xf32, #tpu.memory_space<hbm>>
        tpu.wait_indirect_dma semaphore(%arg15 : memref<!tpu.dma_semaphore, #tpu.memory_space<semaphore_mem>>) src(%dma_wait3A_168 : memref<4194304x16xf32, #tpu.memory_space<hbm>>) dst(%dma_wait3A_165 : memref<16x16xf32, #tpu.memory_space<vmem>>)
        %dma_wait3A_169 = arith.constant 0 : i32
        %dma_wait3A_170 = tpu.memref_slice %arg11[%mul3A_160, %dma_wait3A_169] : memref<512x16xi32, #tpu.memory_space<vmem>> -> memref<16x16xi32, #tpu.memory_space<vmem>>
        %dma_wait3A_171 = arith.constant 0 : i32
        %dma_wait3A_172 = arith.constant 0 : i32
        %dma_wait3A_173 = tpu.memref_slice %arg5[%dma_wait3A_171, %dma_wait3A_172] : memref<4096x16xi32, #tpu.memory_space<hbm>> -> memref<4096x16xi32, #tpu.memory_space<hbm>>
        tpu.wait_indirect_dma semaphore(%arg16 : memref<!tpu.dma_semaphore, #tpu.memory_space<semaphore_mem>>) src(%dma_wait3A_173 : memref<4096x16xi32, #tpu.memory_space<hbm>>) dst(%dma_wait3A_170 : memref<16x16xi32, #tpu.memory_space<vmem>>)
        %while3A_174 = arith.constant 0 : i32
        scf.yield %while3A_174 : i32
      }
      %while3A_84 = arith.constant 0 : i32
      %while3A_85 = arith.constant 0 : i32
      %while3A_86 = arith.subi %scan3A_33, %while3A_84 : i32
      %while3A_87 = arith.addi %while3A_84, %while3A_86 : i32
      %while3A_88 = arith.constant 1 : i32
      %while3A_89 = arith.divsi %while3A_86, %while3A_88 : i32
      %while3A_90 = arith.muli %while3A_89, %while3A_88 : i32
      %while3A_91 = arith.addi %while3A_84, %while3A_90 : i32
      %while3A_92 = arith.constant 1 : i32
      %while3A_93:2 = scf.for %while3A_153 = %while3A_84 to %while3A_91 step %while3A_92 iter_args(%while3A_154 = %while3A_85, %while3A_155 = %broadcast_in_dim3A_5) -> (i32, vector<16xf32>)  : i32 {
        %get3A_156 = arith.index_cast %while3A_153 : i32 to index
        %get3A_157 = arith.constant 0 : index
        %get3A_158 = tpu.vector_load %arg10[%get3A_156, %get3A_157] {strides = array<i32>} : memref<512x16xf32, #tpu.memory_space<vmem>>, vector<16xf32>,
        %get3A_159 = arith.index_cast %while3A_153 : i32 to index
        %get3A_160 = arith.constant 0 : index
        %get3A_161 = tpu.vector_load %arg11[%get3A_159, %get3A_160] {strides = array<i32>} : memref<512x16xi32, #tpu.memory_space<vmem>>, vector<16xi32>,
        %ge3A = vector.broadcast %sub3A_25 : f32 to vector<16xf32>
        %ge3A_162 = arith.cmpf oge, %get3A_158, %ge3A : vector<16xf32>
        %masked_sort3A = arith.constant dense<true> : vector<16xi1>
        %masked_sort3A_163, %masked_sort3A_164, %masked_sort3A_165 = tpu.sort %get3A_158, %get3A_158 masked %masked_sort3A {descending = true} : (vector<16xf32>, vector<16xf32>, vector<16xi1>) -> (vector<16xi1>, vector<16xf32>, vector<16xf32>)
        %swap3A = arith.index_cast %while3A_154 : i32 to index
        %swap3A_166 = tpu.vector_load %arg12[%swap3A] {strides = array<i32>} : memref<512xf32, #tpu.memory_space<vmem>>, vector<16xf32>,
        tpu.vector_store %arg12[%swap3A], %masked_sort3A_165 {strides = array<i32>} : memref<512xf32, #tpu.memory_space<vmem>>, vector<16xf32>,
        %masked_sort3A_167 = arith.constant dense<true> : vector<16xi1>
        %masked_sort3A_168, %masked_sort3A_169, %masked_sort3A_170 = tpu.sort %get3A_158, %get3A_161 masked %masked_sort3A_167 {descending = true} : (vector<16xf32>, vector<16xi32>, vector<16xi1>) -> (vector<16xi1>, vector<16xf32>, vector<16xi32>)
        %swap3A_171 = arith.index_cast %while3A_154 : i32 to index
        %swap3A_172 = tpu.vector_load %arg13[%swap3A_171] {strides = array<i32>} : memref<512xi32, #tpu.memory_space<vmem>>, vector<16xi32>,
        tpu.vector_store %arg13[%swap3A_171], %masked_sort3A_170 {strides = array<i32>} : memref<512xi32, #tpu.memory_space<vmem>>, vector<16xi32>,
        %all_reduce_population_count3A = tpu.all_reduce %ge3A_162 {dim = 0 : i64, kind = #tpu.reduction_kind<sum>} : vector<16xi1> -> vector<16xi32>
        %slice3A_173 = vector.extract_strided_slice %all_reduce_population_count3A {offsets = [0], sizes = [1], strides = [1]} : vector<16xi32> to vector<1xi32>
        %squeeze3A_174 = vector.extract %slice3A_173[0] : i32 from vector<1xi32>
        %add3A_175 = arith.addi %while3A_154, %squeeze3A_174 : i32
        %min3A = arith.constant 496 : i32
        %min3A_176 = arith.minsi %add3A_175, %min3A : i32
        %max3A = arith.maximumf %while3A_155, %get3A_158 : vector<16xf32>
        scf.yield %min3A_176, %max3A : i32, vector<16xf32>
      }
      %while3A_94 = arith.constant 1 : i32
      %while3A_95:2 = scf.for %while3A_153 = %while3A_91 to %while3A_87 step %while3A_94 iter_args(%while3A_154 = %while3A_93#0, %while3A_155 = %while3A_93#1) -> (i32, vector<16xf32>)  : i32 {
        %get3A_156 = arith.index_cast %while3A_153 : i32 to index
        %get3A_157 = arith.constant 0 : index
        %get3A_158 = tpu.vector_load %arg10[%get3A_156, %get3A_157] {strides = array<i32>} : memref<512x16xf32, #tpu.memory_space<vmem>>, vector<16xf32>,
        %get3A_159 = arith.index_cast %while3A_153 : i32 to index
        %get3A_160 = arith.constant 0 : index
        %get3A_161 = tpu.vector_load %arg11[%get3A_159, %get3A_160] {strides = array<i32>} : memref<512x16xi32, #tpu.memory_space<vmem>>, vector<16xi32>,
        %ge3A = vector.broadcast %sub3A_25 : f32 to vector<16xf32>
        %ge3A_162 = arith.cmpf oge, %get3A_158, %ge3A : vector<16xf32>
        %masked_sort3A = arith.constant dense<true> : vector<16xi1>
        %masked_sort3A_163, %masked_sort3A_164, %masked_sort3A_165 = tpu.sort %get3A_158, %get3A_158 masked %masked_sort3A {descending = true} : (vector<16xf32>, vector<16xf32>, vector<16xi1>) -> (vector<16xi1>, vector<16xf32>, vector<16xf32>)
        %swap3A = arith.index_cast %while3A_154 : i32 to index
        %swap3A_166 = tpu.vector_load %arg12[%swap3A] {strides = array<i32>} : memref<512xf32, #tpu.memory_space<vmem>>, vector<16xf32>,
        tpu.vector_store %arg12[%swap3A], %masked_sort3A_165 {strides = array<i32>} : memref<512xf32, #tpu.memory_space<vmem>>, vector<16xf32>,
        %masked_sort3A_167 = arith.constant dense<true> : vector<16xi1>
        %masked_sort3A_168, %masked_sort3A_169, %masked_sort3A_170 = tpu.sort %get3A_158, %get3A_161 masked %masked_sort3A_167 {descending = true} : (vector<16xf32>, vector<16xi32>, vector<16xi1>) -> (vector<16xi1>, vector<16xf32>, vector<16xi32>)
        %swap3A_171 = arith.index_cast %while3A_154 : i32 to index
        %swap3A_172 = tpu.vector_load %arg13[%swap3A_171] {strides = array<i32>} : memref<512xi32, #tpu.memory_space<vmem>>, vector<16xi32>,
        tpu.vector_store %arg13[%swap3A_171], %masked_sort3A_170 {strides = array<i32>} : memref<512xi32, #tpu.memory_space<vmem>>, vector<16xi32>,
        %all_reduce_population_count3A = tpu.all_reduce %ge3A_162 {dim = 0 : i64, kind = #tpu.reduction_kind<sum>} : vector<16xi1> -> vector<16xi32>
        %slice3A_173 = vector.extract_strided_slice %all_reduce_population_count3A {offsets = [0], sizes = [1], strides = [1]} : vector<16xi32> to vector<1xi32>
        %squeeze3A_174 = vector.extract %slice3A_173[0] : i32 from vector<1xi32>
        %add3A_175 = arith.addi %while3A_154, %squeeze3A_174 : i32
        %min3A = arith.constant 496 : i32
        %min3A_176 = arith.minsi %add3A_175, %min3A : i32
        %max3A = arith.maximumf %while3A_155, %get3A_158 : vector<16xf32>
        scf.yield %min3A_176, %max3A : i32, vector<16xf32>
      }
      %add3A_96 = arith.constant 15 : i32
      %add3A_97 = arith.addi %while3A_95#0, %add3A_96 : i32
      %jit3A_98 = arith.constant 16 : i32
      %div3A_99 = arith.divsi %add3A_97, %jit3A_98 : i32
      %sign3A_100 = arith.constant 0 : i32
      %sign3A_101 = arith.cmpi sgt, %add3A_97, %sign3A_100 : i32
      %sign3A_102 = arith.extui %sign3A_101 : i1 to i32
      %sign3A_103 = arith.constant 0 : i32
      %sign3A_104 = arith.cmpi slt, %add3A_97, %sign3A_103 : i32
      %sign3A_105 = arith.extui %sign3A_104 : i1 to i32
      %sign3A_106 = arith.subi %sign3A_102, %sign3A_105 : i32
      %sign3A_107 = arith.constant 0 : i32
      %sign3A_108 = arith.cmpi sgt, %jit3A_98, %sign3A_107 : i32
      %sign3A_109 = arith.extui %sign3A_108 : i1 to i32
      %sign3A_110 = arith.constant 0 : i32
      %sign3A_111 = arith.cmpi slt, %jit3A_98, %sign3A_110 : i32
      %sign3A_112 = arith.extui %sign3A_111 : i1 to i32
      %sign3A_113 = arith.subi %sign3A_109, %sign3A_112 : i32
      %ne3A_114 = arith.cmpi ne, %sign3A_106, %sign3A_113 : i32
      %rem3A_115 = arith.remsi %add3A_97, %jit3A_98 : i32
      %ne3A_116 = arith.constant 0 : i32
      %ne3A_117 = arith.cmpi ne, %rem3A_115, %ne3A_116 : i32
      %and3A_118 = arith.andi %ne3A_114, %ne3A_117 : i1
      %sub3A_119 = arith.constant 1 : i32
      %sub3A_120 = arith.subi %div3A_99, %sub3A_119 : i32
      %select_n3A_121 = arith.select %and3A_118, %sub3A_120, %div3A_99 : i32
      %reduce_max3A = arith.constant true
      %reduce_max3A_122 = vector.broadcast %reduce_max3A : i1 to vector<16xi1>
      %reduce_max3A_123 = tpu.scan <max>, %while3A_95#1 masked %reduce_max3A_122 : vector<16xf32>, vector<16xi1> -> vector<16xf32>
      %reduce_max3A_124 = vector.extract %reduce_max3A_123[15] : f32 from vector<16xf32>
      %add3A_125 = arith.constant 1.000000e-03 : f32
      %add3A_126 = arith.addf %reduce_max3A_124, %add3A_125 : f32
      %scan3A_127 = arith.constant 0 : i32
      %scan3A_128 = arith.constant 26 : i32
      %scan3A_129 = arith.addi %scan3A_127, %scan3A_128 : i32
      %scan3A_130 = arith.constant 1 : i32
      %scan3A_131:2 = scf.for %scan3A_153 = %scan3A_127 to %scan3A_129 step %scan3A_130 iter_args(%scan3A_154 = %sub3A_25, %scan3A_155 = %add3A_126) -> (f32, f32)  : i32 {
        %add3A_156 = arith.addf %scan3A_154, %scan3A_155 : f32
        %mul3A_157 = arith.constant 5.000000e-01 : f32
        %mul3A_158 = arith.mulf %add3A_156, %mul3A_157 : f32
        %broadcast_in_dim3A_159 = arith.constant 0 : i32
        %broadcast_in_dim3A_160 = vector.broadcast %broadcast_in_dim3A_159 : i32 to vector<16xi32>
        %while3A_161 = arith.constant 0 : i32
        %while3A_162 = arith.subi %select_n3A_121, %while3A_161 : i32
        %while3A_163 = arith.addi %while3A_161, %while3A_162 : i32
        %while3A_164 = arith.constant 1 : i32
        %while3A_165 = arith.divsi %while3A_162, %while3A_164 : i32
        %while3A_166 = arith.muli %while3A_165, %while3A_164 : i32
        %while3A_167 = arith.addi %while3A_161, %while3A_166 : i32
        %while3A_168 = arith.constant 1 : i32
        %while3A_169 = scf.for %while3A_178 = %while3A_161 to %while3A_167 step %while3A_168 iter_args(%while3A_179 = %broadcast_in_dim3A_160) -> (vector<16xi32>)  : i32 {
          %mul3A_180 = arith.constant 16 : i32
          %mul3A_181 = arith.muli %while3A_178, %mul3A_180 : i32
          %get3A_182 = arith.index_cast %mul3A_181 : i32 to index
          %get3A_183 = tpu.vector_load %arg12[%get3A_182] {strides = array<i32>} : memref<512xf32, #tpu.memory_space<vmem>>, vector<16xf32>,
          %ge3A_184 = vector.broadcast %mul3A_158 : f32 to vector<16xf32>
          %ge3A_185 = arith.cmpf oge, %get3A_183, %ge3A_184 : vector<16xf32>
          %jit3A_186 = arith.constant 1 : i32
          %jit3A_187 = arith.constant 0 : i32
          %broadcast_in_dim3A_188 = vector.broadcast %jit3A_186 : i32 to vector<16xi32>
          %broadcast_in_dim3A_189 = vector.broadcast %jit3A_187 : i32 to vector<16xi32>
          %select_n3A_190 = arith.select %ge3A_185, %broadcast_in_dim3A_188, %broadcast_in_dim3A_189 : vector<16xi1>, vector<16xi32>
          %add3A_191 = arith.addi %while3A_179, %select_n3A_190 : vector<16xi32>
          scf.yield %add3A_191 : vector<16xi32>
        }
        %while3A_170 = arith.constant 1 : i32
        %while3A_171 = scf.for %while3A_178 = %while3A_167 to %while3A_163 step %while3A_170 iter_args(%while3A_179 = %while3A_169) -> (vector<16xi32>)  : i32 {
          %mul3A_180 = arith.constant 16 : i32
          %mul3A_181 = arith.muli %while3A_178, %mul3A_180 : i32
          %get3A_182 = arith.index_cast %mul3A_181 : i32 to index
          %get3A_183 = tpu.vector_load %arg12[%get3A_182] {strides = array<i32>} : memref<512xf32, #tpu.memory_space<vmem>>, vector<16xf32>,
          %ge3A_184 = vector.broadcast %mul3A_158 : f32 to vector<16xf32>
          %ge3A_185 = arith.cmpf oge, %get3A_183, %ge3A_184 : vector<16xf32>
          %jit3A_186 = arith.constant 1 : i32
          %jit3A_187 = arith.constant 0 : i32
          %broadcast_in_dim3A_188 = vector.broadcast %jit3A_186 : i32 to vector<16xi32>
          %broadcast_in_dim3A_189 = vector.broadcast %jit3A_187 : i32 to vector<16xi32>
          %select_n3A_190 = arith.select %ge3A_185, %broadcast_in_dim3A_188, %broadcast_in_dim3A_189 : vector<16xi1>, vector<16xi32>
          %add3A_191 = arith.addi %while3A_179, %select_n3A_190 : vector<16xi32>
          scf.yield %add3A_191 : vector<16xi32>
        }
        %reduce_sum3A = arith.constant true
        %reduce_sum3A_172 = vector.broadcast %reduce_sum3A : i1 to vector<16xi1>
        %reduce_sum3A_173 = tpu.scan <sum>, %while3A_171 masked %reduce_sum3A_172 : vector<16xi32>, vector<16xi1> -> vector<16xi32>
        %reduce_sum3A_174 = vector.extract %reduce_sum3A_173[15] : i32 from vector<16xi32>
        %ge3A = arith.constant 200 : i32
        %ge3A_175 = arith.cmpi sge, %reduce_sum3A_174, %ge3A : i32
        %select_n3A_176 = arith.select %ge3A_175, %mul3A_158, %scan3A_154 : f32
        %select_n3A_177 = arith.select %ge3A_175, %scan3A_155, %mul3A_158 : f32
        scf.yield %select_n3A_176, %select_n3A_177 : f32, f32
      }
      %scan3A_132 = arith.constant 26 : i32
      %scan3A_133 = arith.constant 0 : i32
      %scan3A_134 = arith.constant 0 : i32
      %scan3A_135 = arith.constant 64 : i32
      %scan3A_136 = arith.addi %scan3A_134, %scan3A_135 : i32
      %scan3A_137 = arith.constant 1 : i32
      %scan3A_138 = scf.for %scan3A_153 = %scan3A_134 to %scan3A_136 step %scan3A_137 iter_args(%scan3A_154 = %scan3A_133) -> (i32)  : i32 {
        %mul3A_155 = arith.constant 16 : i32
        %mul3A_156 = arith.muli %scan3A_153, %mul3A_155 : i32
        %swap3A = arith.index_cast %mul3A_156 : i32 to index
        %swap3A_157 = tpu.vector_load %arg14[%swap3A] {strides = array<i32>} : memref<1024xf32, #tpu.memory_space<vmem>>, vector<16xf32>,
        tpu.vector_store %arg14[%swap3A], %broadcast_in_dim3A_3 {strides = array<i32>} : memref<1024xf32, #tpu.memory_space<vmem>>, vector<16xf32>,
        %scan3A_158 = arith.constant 0 : i32
        scf.yield %scan3A_158 : i32
      }
      %scan3A_139 = arith.constant 64 : i32
      %while3A_140 = arith.constant 0 : i32
      %while3A_141 = arith.constant 0 : i32
      %while3A_142 = arith.subi %select_n3A_121, %while3A_140 : i32
      %while3A_143 = arith.addi %while3A_140, %while3A_142 : i32
      %while3A_144 = arith.constant 1 : i32
      %while3A_145 = arith.divsi %while3A_142, %while3A_144 : i32
      %while3A_146 = arith.muli %while3A_145, %while3A_144 : i32
      %while3A_147 = arith.addi %while3A_140, %while3A_146 : i32
      %while3A_148 = arith.constant 1 : i32
      %while3A_149 = scf.for %while3A_153 = %while3A_140 to %while3A_147 step %while3A_148 iter_args(%while3A_154 = %while3A_141) -> (i32)  : i32 {
        %mul3A_155 = arith.constant 16 : i32
        %mul3A_156 = arith.muli %while3A_153, %mul3A_155 : i32
        %get3A_157 = arith.index_cast %mul3A_156 : i32 to index
        %get3A_158 = tpu.vector_load %arg12[%get3A_157] {strides = array<i32>} : memref<512xf32, #tpu.memory_space<vmem>>, vector<16xf32>,
        %mul3A_159 = arith.constant 16 : i32
        %mul3A_160 = arith.muli %while3A_153, %mul3A_159 : i32
        %get3A_161 = arith.index_cast %mul3A_160 : i32 to index
        %get3A_162 = tpu.vector_load %arg13[%get3A_161] {strides = array<i32>} : memref<512xi32, #tpu.memory_space<vmem>>, vector<16xi32>,
        %ge3A = vector.broadcast %scan3A_131#0 : f32 to vector<16xf32>
        %ge3A_163 = arith.cmpf oge, %get3A_158, %ge3A : vector<16xf32>
        %mul3A_164 = arith.constant 14.2857141 : f32
        %mul3A_165 = vector.broadcast %mul3A_164 : f32 to vector<16xf32>
        %mul3A_166 = arith.mulf %get3A_158, %mul3A_165 : vector<16xf32>
        %exp3A = math.exp %mul3A_166 : vector<16xf32>
        %jit3A_167 = arith.constant 0.000000e+00 : f32
        %broadcast_in_dim3A_168 = vector.broadcast %jit3A_167 : f32 to vector<16xf32>
        %select_n3A_169 = arith.select %ge3A_163, %exp3A, %broadcast_in_dim3A_168 : vector<16xi1>, vector<16xf32>
        %jit3A_170 = arith.constant 0 : i32
        %broadcast_in_dim3A_171 = vector.broadcast %jit3A_170 : i32 to vector<16xi32>
        %select_n3A_172 = arith.select %ge3A_163, %get3A_162, %broadcast_in_dim3A_171 : vector<16xi1>, vector<16xi32>
        tpu.vector_store_idx %arg14[%select_n3A_172], %select_n3A_169 {add = true} : memref<1024xf32, #tpu.memory_space<vmem>>[vector<16xi32>], vector<16xf32>,
        %while3A_173 = arith.constant 0 : i32
        scf.yield %while3A_173 : i32
      }
      %while3A_150 = arith.constant 1 : i32
      %while3A_151 = scf.for %while3A_153 = %while3A_147 to %while3A_143 step %while3A_150 iter_args(%while3A_154 = %while3A_149) -> (i32)  : i32 {
        %mul3A_155 = arith.constant 16 : i32
        %mul3A_156 = arith.muli %while3A_153, %mul3A_155 : i32
        %get3A_157 = arith.index_cast %mul3A_156 : i32 to index
        %get3A_158 = tpu.vector_load %arg12[%get3A_157] {strides = array<i32>} : memref<512xf32, #tpu.memory_space<vmem>>, vector<16xf32>,
        %mul3A_159 = arith.constant 16 : i32
        %mul3A_160 = arith.muli %while3A_153, %mul3A_159 : i32
        %get3A_161 = arith.index_cast %mul3A_160 : i32 to index
        %get3A_162 = tpu.vector_load %arg13[%get3A_161] {strides = array<i32>} : memref<512xi32, #tpu.memory_space<vmem>>, vector<16xi32>,
        %ge3A = vector.broadcast %scan3A_131#0 : f32 to vector<16xf32>
        %ge3A_163 = arith.cmpf oge, %get3A_158, %ge3A : vector<16xf32>
        %mul3A_164 = arith.constant 14.2857141 : f32
        %mul3A_165 = vector.broadcast %mul3A_164 : f32 to vector<16xf32>
        %mul3A_166 = arith.mulf %get3A_158, %mul3A_165 : vector<16xf32>
        %exp3A = math.exp %mul3A_166 : vector<16xf32>
        %jit3A_167 = arith.constant 0.000000e+00 : f32
        %broadcast_in_dim3A_168 = vector.broadcast %jit3A_167 : f32 to vector<16xf32>
        %select_n3A_169 = arith.select %ge3A_163, %exp3A, %broadcast_in_dim3A_168 : vector<16xi1>, vector<16xf32>
        %jit3A_170 = arith.constant 0 : i32
        %broadcast_in_dim3A_171 = vector.broadcast %jit3A_170 : i32 to vector<16xi32>
        %select_n3A_172 = arith.select %ge3A_163, %get3A_162, %broadcast_in_dim3A_171 : vector<16xi1>, vector<16xi32>
        tpu.vector_store_idx %arg14[%select_n3A_172], %select_n3A_169 {add = true} : memref<1024xf32, #tpu.memory_space<vmem>>[vector<16xi32>], vector<16xf32>,
        %while3A_173 = arith.constant 0 : i32
        scf.yield %while3A_173 : i32
      }
      "tpu.region"() ({
        %run_scoped3A = tpu.sem_alloc : memref<!tpu.dma_semaphore, #tpu.memory_space<semaphore_mem>>
        %dma_start3A = arith.constant 0 : i32
        %dma_start3A_153 = tpu.memref_slice %arg6[%add3A_23, %dma_start3A] : memref<1024x1024xf32, #tpu.memory_space<hbm>> -> memref<1x1024xf32, #tpu.memory_space<hbm>>
        %dma_start3A_154 = tpu.memref_squeeze %dma_start3A_153 : memref<1x1024xf32, #tpu.memory_space<hbm>> -> memref<1024xf32, #tpu.memory_space<hbm>>
        %dma_start3A_155 = arith.constant 0 : i32
        %dma_start3A_156 = tpu.memref_slice %arg6[%add3A_23, %dma_start3A_155] : memref<1024x1024xf32, #tpu.memory_space<hbm>> -> memref<1x1024xf32, #tpu.memory_space<hbm>>
        %dma_start3A_157 = tpu.memref_squeeze %dma_start3A_156 : memref<1x1024xf32, #tpu.memory_space<hbm>> -> memref<1024xf32, #tpu.memory_space<hbm>>
        tpu.enqueue_dma source(%arg14 : memref<1024xf32, #tpu.memory_space<vmem>>) target(%dma_start3A_157 : memref<1024xf32, #tpu.memory_space<hbm>>) target_semaphore(%run_scoped3A : memref<!tpu.dma_semaphore, #tpu.memory_space<semaphore_mem>>)
        %dma_wait3A = arith.constant 0 : i32
        %dma_wait3A_158 = tpu.memref_slice %arg6[%add3A_23, %dma_wait3A] : memref<1024x1024xf32, #tpu.memory_space<hbm>> -> memref<1x1024xf32, #tpu.memory_space<hbm>>
        %dma_wait3A_159 = tpu.memref_squeeze %dma_wait3A_158 : memref<1x1024xf32, #tpu.memory_space<hbm>> -> memref<1024xf32, #tpu.memory_space<hbm>>
        %dma_wait3A_160 = arith.constant 0 : i32
        %dma_wait3A_161 = tpu.memref_slice %arg6[%add3A_23, %dma_wait3A_160] : memref<1024x1024xf32, #tpu.memory_space<hbm>> -> memref<1x1024xf32, #tpu.memory_space<hbm>>
        %dma_wait3A_162 = tpu.memref_squeeze %dma_wait3A_161 : memref<1x1024xf32, #tpu.memory_space<hbm>> -> memref<1024xf32, #tpu.memory_space<hbm>>
        tpu.wait_dma2 semaphore(%run_scoped3A : memref<!tpu.dma_semaphore, #tpu.memory_space<semaphore_mem>>) src(%arg14 : memref<1024xf32, #tpu.memory_space<vmem>>) dst(%dma_wait3A_162 : memref<1024xf32, #tpu.memory_space<hbm>>)
        tpu.yield
      }) : () -> ()
      %scan3A_152 = arith.constant 0 : i32
      scf.yield %scan3A_152 : i32
    }
    %scan3A_20 = arith.constant 32 : i32
    return
  }
}

module attributes {stable_mosaic.version = 14 : i64} {
  func.func @_dist_body(%arg0: i32, %arg1: memref<1024x256xf32, #tpu.memory_space<vmem>>, %arg2: memref<2048x256xf32, #tpu.memory_space<vmem>>, %arg3: memref<1024x2048xf32, #tpu.memory_space<vmem>>, %arg4: memref<1x1024x128xf32, #tpu.memory_space<vmem>>) attributes {dimension_semantics = [#tpu.dimension_semantics<arbitrary>], iteration_bounds = array<i64: 32>, scalar_prefetch = 0 : i64, scratch_operands = 0 : i64, tpu.core_type = #tpu.core_type<tc>, window_params = [{pipeline_mode = #tpu.pipeline_mode<synchronous>, transform_indices = @transform_0, window_bounds = array<i64: 1024, 256>}, {transform_indices = @transform_1, window_bounds = array<i64: 2048, 256>}, {transform_indices = @transform_2, window_bounds = array<i64: 1024, 2048>}, {transform_indices = @transform_3, window_bounds = array<i64: 1, 1024, 128>}]} {
    %get3A = arith.constant 0 : index
    %get3A_0 = arith.constant 0 : index
    %get3A_1 = vector.load %arg1[%get3A, %get3A_0] : memref<1024x256xf32, #tpu.memory_space<vmem>>, vector<1024x256xf32>
    %mul3A = arith.mulf %get3A_1, %get3A_1 : vector<1024x256xf32>
    %reduce_sum3A = arith.constant dense<0.000000e+00> : vector<1024xf32>
    %reduce_sum3A_2 = vector.multi_reduction <add>, %mul3A, %reduce_sum3A [1] : vector<1024x256xf32> to vector<1024xf32>
    %broadcast_in_dim3A = vector.shape_cast %reduce_sum3A_2 : vector<1024xf32> to vector<1024x1xf32>
    %sqrt3A = math.sqrt %broadcast_in_dim3A : vector<1024x1xf32>
    %max3A = arith.constant 9.99999996E-13 : f32
    %max3A_3 = vector.broadcast %max3A : f32 to vector<1024x1xf32>
    %max3A_4 = arith.maximumf %sqrt3A, %max3A_3 : vector<1024x1xf32>
    %div3A = vector.broadcast %max3A_4 : vector<1024x1xf32> to vector<1024x256xf32>
    %div3A_5 = arith.divf %get3A_1, %div3A : vector<1024x256xf32>
    %get3A_6 = arith.constant 0 : index
    %get3A_7 = arith.constant 0 : index
    %get3A_8 = vector.load %arg2[%get3A_6, %get3A_7] : memref<2048x256xf32, #tpu.memory_space<vmem>>, vector<2048x256xf32>
    %dot_general3A = arith.constant dense<0.000000e+00> : vector<1024x2048xf32>
    %dot_general3A_9 = tpu.matmul %div3A_5, %get3A_8, %dot_general3A {dimension_numbers = #tpu.dot_dimension_numbers<[1], [1], [0], [0], [0, 0, 1, 0], [], []>, transpose_lhs_hint = false} : vector<1024x256xf32>, vector<2048x256xf32>, vector<1024x2048xf32> -> vector<1024x2048xf32>
    %swap3A = arith.constant 0 : index
    %swap3A_10 = arith.constant 0 : index
    %swap3A_11 = vector.load %arg3[%swap3A, %swap3A_10] : memref<1024x2048xf32, #tpu.memory_space<vmem>>, vector<1024x2048xf32>
    tpu.vector_store %arg3[%swap3A, %swap3A_10], %dot_general3A_9 {strides = array<i32>} : memref<1024x2048xf32, #tpu.memory_space<vmem>>, vector<1024x2048xf32>,
    %roll3A = arith.constant 2047 : i32
    %roll3A_12 = tpu.dynamic_rotate %dot_general3A_9 by %roll3A dim 1 : vector<1024x2048xf32>, i32 -> vector<1024x2048xf32>
    %max3A_13 = arith.maximumf %dot_general3A_9, %roll3A_12 : vector<1024x2048xf32>
    %roll3A_14 = arith.constant 2046 : i32
    %roll3A_15 = tpu.dynamic_rotate %max3A_13 by %roll3A_14 dim 1 : vector<1024x2048xf32>, i32 -> vector<1024x2048xf32>
    %max3A_16 = arith.maximumf %max3A_13, %roll3A_15 : vector<1024x2048xf32>
    %roll3A_17 = arith.constant 2044 : i32
    %roll3A_18 = tpu.dynamic_rotate %max3A_16 by %roll3A_17 dim 1 : vector<1024x2048xf32>, i32 -> vector<1024x2048xf32>
    %max3A_19 = arith.maximumf %max3A_16, %roll3A_18 : vector<1024x2048xf32>
    %roll3A_20 = arith.constant 2040 : i32
    %roll3A_21 = tpu.dynamic_rotate %max3A_19 by %roll3A_20 dim 1 : vector<1024x2048xf32>, i32 -> vector<1024x2048xf32>
    %max3A_22 = arith.maximumf %max3A_19, %roll3A_21 : vector<1024x2048xf32>
    %iota3A = tpu.iota {dimensions = array<i32: 0>} : vector<2048x128xi32>
    %iota3A_23 = tpu.iota {dimensions = array<i32: 1>} : vector<2048x128xi32>
    %mul3A_24 = arith.constant 16 : i32
    %mul3A_25 = vector.broadcast %mul3A_24 : i32 to vector<2048x128xi32>
    %mul3A_26 = arith.muli %mul3A_25, %iota3A_23 : vector<2048x128xi32>
    %eq3A = arith.cmpi eq, %iota3A, %mul3A_26 : vector<2048x128xi32>
    %convert_element_type3A = arith.extui %eq3A : vector<2048x128xi1> to vector<2048x128xi32>
    %convert_element_type3A_27 = arith.sitofp %convert_element_type3A : vector<2048x128xi32> to vector<2048x128xf32>
    %dot_general3A_28 = arith.constant dense<0.000000e+00> : vector<1024x128xf32>
    %dot_general3A_29 = tpu.matmul %max3A_22, %convert_element_type3A_27, %dot_general3A_28 {dimension_numbers = #tpu.dot_dimension_numbers<[1], [0], [0], [1], [0, 0, 1, 1], [], []>, transpose_lhs_hint = false} : vector<1024x2048xf32>, vector<2048x128xf32>, vector<1024x128xf32> -> vector<1024x128xf32>
    %swap3A_30 = arith.constant 0 : index
    %swap3A_31 = arith.constant 0 : index
    %swap3A_32 = arith.constant 0 : index
    %swap3A_33 = vector.load %arg4[%swap3A_30, %swap3A_31, %swap3A_32] : memref<1x1024x128xf32, #tpu.memory_space<vmem>>, vector<1x1024x128xf32>
    %swap3A_34 = vector.shape_cast %swap3A_33 : vector<1x1024x128xf32> to vector<1024x128xf32>
    %swap3A_35 = vector.shape_cast %dot_general3A_29 : vector<1024x128xf32> to vector<1x1024x128xf32>
    tpu.vector_store %arg4[%swap3A_30, %swap3A_31, %swap3A_32], %swap3A_35 {strides = array<i32>} : memref<1x1024x128xf32, #tpu.memory_space<vmem>>, vector<1x1024x128xf32>,
    return
  }
  func.func @transform_0(%arg0: i32) -> (i32, i32) {
    %c0_i32 = arith.constant 0 : i32
    %c0_i32_0 = arith.constant 0 : i32
    %c0_i32_1 = arith.constant 0 : i32
    return %c0_i32, %c0_i32_0 : i32, i32
  }
  func.func @transform_1(%arg0: i32) -> (i32, i32) {
    %c0_i32 = arith.constant 0 : i32
    %c0_i32_0 = arith.constant 0 : i32
    return %arg0, %c0_i32 : i32, i32
  }
  func.func @transform_2(%arg0: i32) -> (i32, i32) {
    %c0_i32 = arith.constant 0 : i32
    %c0_i32_0 = arith.constant 0 : i32
    return %c0_i32, %arg0 : i32, i32
  }
  func.func @transform_3(%arg0: i32) -> (i32, i32, i32) {
    %c0_i32 = arith.constant 0 : i32
    %c0_i32_0 = arith.constant 0 : i32
    %c0_i32_1 = arith.constant 0 : i32
    return %arg0, %c0_i32, %c0_i32_0 : i32, i32, i32
  }
}

module attributes {stable_mosaic.version = 14 : i64} {
  func.func @_t0_body(%arg0: memref<1024x4096xf32, #tpu.memory_space<vmem>>, %arg1: memref<1024x1xf32, #tpu.memory_space<vmem>>) attributes {dimension_semantics = [], scalar_prefetch = 0 : i64, scratch_operands = 0 : i64, tpu.core_type = #tpu.core_type<tc>} {
    %get3A = arith.constant 0 : index
    %get3A_0 = arith.constant 0 : index
    %get3A_1 = vector.load %arg0[%get3A, %get3A_0] : memref<1024x4096xf32, #tpu.memory_space<vmem>>, vector<1024x4096xf32>
    %broadcast_in_dim3A = arith.constant -2.000000e+00 : f32
    %broadcast_in_dim3A_2 = vector.broadcast %broadcast_in_dim3A : f32 to vector<1024x1xf32>
    %broadcast_in_dim3A_3 = arith.constant 2.000000e+00 : f32
    %broadcast_in_dim3A_4 = vector.broadcast %broadcast_in_dim3A_3 : f32 to vector<1024x1xf32>
    %scan3A = arith.constant 0 : i32
    %scan3A_5 = arith.constant 26 : i32
    %scan3A_6 = arith.addi %scan3A, %scan3A_5 : i32
    %scan3A_7 = arith.constant 1 : i32
    %scan3A_8:2 = scf.for %scan3A_11 = %scan3A to %scan3A_6 step %scan3A_7 iter_args(%scan3A_12 = %broadcast_in_dim3A_2, %scan3A_13 = %broadcast_in_dim3A_4) -> (vector<1024x1xf32>, vector<1024x1xf32>)  : i32 {
      %add3A = arith.addf %scan3A_12, %scan3A_13 : vector<1024x1xf32>
      %mul3A = arith.constant 5.000000e-01 : f32
      %mul3A_14 = vector.broadcast %mul3A : f32 to vector<1024x1xf32>
      %mul3A_15 = arith.mulf %add3A, %mul3A_14 : vector<1024x1xf32>
      %ge3A = vector.broadcast %mul3A_15 : vector<1024x1xf32> to vector<1024x4096xf32>
      %ge3A_16 = arith.cmpf oge, %get3A_1, %ge3A : vector<1024x4096xf32>
      %convert_element_type3A = arith.extui %ge3A_16 : vector<1024x4096xi1> to vector<1024x4096xi32>
      %reduce_sum3A = arith.constant dense<0> : vector<1024xi32>
      %reduce_sum3A_17 = vector.multi_reduction <add>, %convert_element_type3A, %reduce_sum3A [1] : vector<1024x4096xi32> to vector<1024xi32>
      %broadcast_in_dim3A_18 = vector.shape_cast %reduce_sum3A_17 : vector<1024xi32> to vector<1024x1xi32>
      %ge3A_19 = arith.constant 200 : i32
      %ge3A_20 = vector.broadcast %ge3A_19 : i32 to vector<1024x1xi32>
      %ge3A_21 = arith.cmpi sge, %broadcast_in_dim3A_18, %ge3A_20 : vector<1024x1xi32>
      %select_n3A = arith.select %ge3A_21, %mul3A_15, %scan3A_12 : vector<1024x1xi1>, vector<1024x1xf32>
      %select_n3A_22 = arith.select %ge3A_21, %scan3A_13, %mul3A_15 : vector<1024x1xi1>, vector<1024x1xf32>
      scf.yield %select_n3A, %select_n3A_22 : vector<1024x1xf32>, vector<1024x1xf32>
    }
    %swap3A = arith.constant 0 : index
    %swap3A_9 = arith.constant 0 : index
    %swap3A_10 = vector.load %arg1[%swap3A, %swap3A_9] : memref<1024x1xf32, #tpu.memory_space<vmem>>, vector<1024x1xf32>
    tpu.vector_store %arg1[%swap3A, %swap3A_9], %scan3A_8#0 {strides = array<i32>} : memref<1024x1xf32, #tpu.memory_space<vmem>>, vector<1024x1xf32>,
    return
  }
}

</mosaic_0001>

<sc_bundles>
// kernel: kernel.5.cloned.1.call-start
scs
__scs_entry_jumppad:
0x0: {  	(pc) =	sbr.rel $0x88, $3  }
0x1: {  	(tag) =	ssettag $0x0;
	lr =	simm.s32 $0x1  }
0x2: {  	[smem:$0x3F9E] =	sst lr;
	_ =	strace $0xD0000000  }
0x3: {  	_ = 	snop  }
0x4: {  	_ = 	snop  }
0x5: {  	_ = 	snop  }
0x6: {  	_ = 	snop  }
0x7: {  	_ = 	snop  }
__scs_overlays_trampoline_lowered:
0x8: {  	[smem:$0x3FAD] =	sst s0  }
0x9: {  	[smem:$0x3FAE] =	sst s1  }
0xa: {  	[smem:$0x3FAF] =	sst s2  }
0xb: {  	[smem:$0x3FB0] =	sst s3  }
0xc: {  	[smem:$0x3FB1] =	sst s4  }
0xd: {  	[smem:$0x3FB2] =	sst s5  }
0xe: {  	[smem:$0x3FB3] =	sst s6  }
0xf: {  	[smem:$0x3FB4] =	sst s7  }
0x10: {  	[smem:$0x3FB5] =	sst s8  }
0x11: {  	[smem:$0x3FB6] =	sst s9;
	s0 =	simm.s32 @!p0 $0x0  }
0x12: {  	s1 =	sld [smem:$0x3F9C];
	s0 =	simm.s32 @p0 $0x1  }
0x13: {  	[smem:$0x3FB7] =	sst s0;
	s0 =	simm.s32 @!p1 $0x0  }
0x14: {  	s2 =	sld [smem:$0x3F9B];
	s0 =	simm.s32 @p1 $0x1  }
0x15: {  	[smem:$0x3FB8] =	sst s0;
	s0 =	simm.s32 @!p2 $0x0  }
0x16: {  	s3 =	sld [smem:$0x3FDB];
	s0 =	simm.s32 @p2 $0x1  }
0x17: {  	s4 =	simm.s32 $0x1BF5;
	[smem:$0x3FBA] =	sst s0  }
0x18: {  	s0 =	sld [smem:$0x3F9D];
	_ =	swait.ge [sflag:s4], $0x0  }
0x19: {  	s7 =	sld [smem:$0x3F9E]  }
0x1a: {  	s8 =	sadd.s32 $0xFFFFE003, lr  }
0x1b: {  	s9 =	sadd.s32 $0xFFFFFEF7, lr;
	s5 =	simm.s32 $0xFFFFFFFF;
	p2 =	slt.u32 s8, $0xFFFFF086  }
0x1c: {  	p1 =	slt.u32 s9, $0xF7A;
	s5 =	simm.s32 @!p2 $0x0  }
0x1d: {  	s5 =	simm.s32 @p1 $0x1;
	p0 =	seq.s32 s7, s2  }
0x1e: {  	s7 =	smul.u32 @!p0 $0xF7A, s2;
	p2 =	seq.s32 @!p0 s5, $0x0  }
0x1f: {  	s9 =	smul.u32 $0xF7A, s1;
	s8 =	simm.s32 @!p0 $0x1BF5;
	p2 =	por !p2, p0  }
0x20: {  	[sflag:s8] =	ssyncset.s32 @!p0 $0xFFFFF086;
	s6 =	sadd.s32 @!p0 s3, s7;
	s7 =	simm.s32 @!p0 $0x108  }
0x21: {  	s3 =	sadd.s32 s3, s9;
	s6 =	sadd.s32 @!p0 $0x88, s6;
	s7 =	simm.s32 @p2 $0x1082  }
0x22: {  	[simem:s7], [sflag:s8] =	dma.local @!p0 [hbm:s6], $0xF7A  }
0x23: {  	s9 =	sor.u32 $0xD0000000, s2;
	s6 =	simm.s32 $0x108;
	_ =	swait.ge @!p0 [sflag:s8], $0x0  }
0x24: {  	s3 =	sadd.s32 $0x88, s3;
	s6 =	simm.s32 @!p1 $0x1082;
	[sflag:s4] =	ssyncset.s32 $0xFFFFF086  }
0x25: {  	[simem:s6], [sflag:s4] =	dma.local [hbm:s3], $0xF7A  }
0x26: {  	[smem:$0x3F9E] =	sst s1;
	(tag) =	ssettag s2;
	_ =	strace s9  }
0x27: {  	s1 =	sld [smem:$0x3FAE]  }
0x28: {  	s2 =	sld [smem:$0x3FAF]  }
0x29: {  	s4 =	sld [smem:$0x3FB1]  }
0x2a: {  	p0 =	seq.s32 s5, $0x0;
	s5 =	sld [smem:$0x3FB2]  }
0x2b: {  	s6 =	sld [smem:$0x3FB3]  }
0x2c: {  	s7 =	sld [smem:$0x3FB4]  }
0x2d: {  	s3 =	simm.s32 $0x108;
	s8 =	sld [smem:$0x3FB5]  }
0x2e: {  	s3 =	simm.s32 @!p0 $0x1082;
	s9 =	sld [smem:$0x3FB6]  }
0x2f: {  	lr =	sadd.s32 s0, s3;
	s0 =	sld [smem:$0x3FAD]  }
0x30: {  	s3 =	sld [smem:$0x3FB0]  }
0x31: {  	[smem:$0x3FB9] =	sst s10  }
0x32: {  	s10 =	sld [smem:$0x3FB7];
	_ =	sdelay $0x3  }
0x33: {  	p0 =	seq.s32 s10, $0x1;
	s10 =	sld [smem:$0x3FB9];
	_ =	sdelay $0x3  }
0x34: {  	[smem:$0x3FB9] =	sst s10  }
0x35: {  	s10 =	sld [smem:$0x3FB8];
	_ =	sdelay $0x3  }
0x36: {  	p1 =	seq.s32 s10, $0x1;
	s10 =	sld [smem:$0x3FB9];
	_ =	sdelay $0x3  }
0x37: {  	[smem:$0x3FB9] =	sst s10  }
0x38: {  	s10 =	sld [smem:$0x3FBA]  }
0x39: {  	_ = 	snop;
	(pc) =	sbr.ind lr, $3  }
0x3a: {  	_ = 	snop  }
0x3b: {  	_ = 	snop  }
0x3c: {  	p2 =	seq.s32 s10, $0x1;
	s10 =	sld [smem:$0x3FB9]  }
0x3d: {  	_ =	shalt  }
0x3e: {  	_ =	shalt  }
0x3f: {  	_ =	shalt  }
0x40: {  	_ =	shalt  }
0x41: {  	_ =	shalt  }
0x42: {  	_ =	shalt  }
0x43: {  	_ =	shalt  }
0x44: {  	_ =	shalt  }
0x45: {  	_ =	shalt  }
0x46: {  	_ =	shalt  }
0x47: {  	_ =	shalt  }
0x48: {  	_ =	shalt  }
0x49: {  	_ =	shalt  }
0x4a: {  	_ =	shalt  }
0x4b: {  	_ =	shalt  }
0x4c: {  	_ =	shalt  }
0x4d: {  	_ =	shalt  }
0x4e: {  	_ =	shalt  }
0x4f: {  	_ =	shalt  }
0x50: {  	_ =	shalt  }
0x51: {  	_ =	shalt  }
0x52: {  	_ =	shalt  }
0x53: {  	_ =	shalt  }
0x54: {  	_ =	shalt  }
0x55: {  	_ =	shalt  }
0x56: {  	_ =	shalt  }
0x57: {  	_ =	shalt  }
0x58: {  	_ =	shalt  }
0x59: {  	_ =	shalt  }
0x5a: {  	_ =	shalt  }
0x5b: {  	_ =	shalt  }
0x5c: {  	_ =	shalt  }
0x5d: {  	_ =	shalt  }
0x5e: {  	_ =	shalt  }
0x5f: {  	_ =	shalt  }
0x60: {  	_ =	shalt  }
0x61: {  	_ =	shalt  }
0x62: {  	_ =	shalt  }
0x63: {  	_ =	shalt  }
0x64: {  	_ =	shalt  }
0x65: {  	_ =	shalt  }
0x66: {  	_ =	shalt  }
0x67: {  	_ =	shalt  }
0x68: {  	_ =	shalt  }
0x69: {  	_ =	shalt  }
0x6a: {  	_ =	shalt  }
0x6b: {  	_ =	shalt  }
0x6c: {  	_ =	shalt  }
0x6d: {  	_ =	shalt  }
0x6e: {  	_ =	shalt  }
0x6f: {  	_ =	shalt  }
0x70: {  	_ =	shalt  }
0x71: {  	_ =	shalt  }
0x72: {  	_ =	shalt  }
0x73: {  	_ =	shalt  }
0x74: {  	_ =	shalt  }
0x75: {  	_ =	shalt  }
0x76: {  	_ =	shalt  }
0x77: {  	_ =	shalt  }
0x78: {  	_ =	shalt  }
0x79: {  	_ =	shalt  }
0x7a: {  	_ =	shalt  }
0x7b: {  	_ =	shalt  }
0x7c: {  	_ =	shalt  }
0x7d: {  	_ =	shalt  }
0x7e: {  	_ =	shalt  }
0x7f: {  	_ =	shalt  }
0x80: {  	_ =	shalt  }
0x81: {  	_ =	shalt  }
0x82: {  	_ =	shalt  }
0x83: {  	_ =	shalt  }
0x84: {  	_ =	shalt  }
0x85: {  	_ =	shalt  }
0x86: {  	_ =	shalt  }
0x87: {  	_ =	shalt  }
.Lfunc_end0:
.L_simem_size_0:
called_computation.1_lowered:
.L_overlay_start_0:
0x88: {  	s2 =	sld [smem:$0x3FD9]  }
0x89: {  	s3 =	sld [smem:$0x3FFE];
	_ =	sdelay $0x1  }
0x8a: {  	s1 =	srdreg.scid  }
0x8b: {  	s0 =	sand.u32 $0x1, s1  }
0x8c: {  	s17 =	sshll.u32 s0, $0xA;
	s2 =	sadd.s32 s3, s2  }
0x8d: {  	s2 =	sadd.s32 s2, s17  }
0x8e: {  	[smem:$0x3FC5] =	sst s2  }
0x8f: {  	_ = 	snop  }
0x90: {  	s2 =	sld [smem:$0x3FC7]  }
0x91: {  	s18 =	sld [smem:$0x3FD0];
	(tm) =	ssettm $0x1  }
0x92: {  	s4 =	sld [smem:$0x3FFB];
	_ =	sdelay $0x3  }
0x93: {  	_ =	strace s4  }
0x94: {  	s4 =	sld [smem:$0x3FFC];
	_ =	sdelay $0x3  }
0x95: {  	_ =	strace s4  }
0x96: {  	s4 =	sld [smem:$0x3FFD];
	_ =	sdelay $0x3  }
0x97: {  	_ =	strace s4  }
0x98: {  	_ =	strace $0x8FFFFFFF  }
0x99: {  	s19 =	sld [smem:$0x3FDB];
	_ =	sdelay $0x1  }
0x9a: {  	s5 =	simm.s32 $_scs_section_size  }
0x9b: {  	s6 =	simm.s32 $_size__tile_overlayer_lowered;
	s7 =	simm.s32 $_tile_overlayer_lowered  }
0x9c: {  	s22 =	simm.s32 $0x1BFF;
	s21 =	sshll.u32 s7, $0x1;
	s4 =	sadd.s32 s5, s19  }
0x9d: {  	s8 =	simm.s32 $0x0;
	s20 =	sshll.u32 s6, $0x1;
	s6 =	sadd.s32 s21, s4  }
0x9e: {  	[timem:s8], [sflag:s22] =	dma.local [hbm:s6], s20  }
0x9f: {  	_ =	swait.ge [sflag:s22], s20  }
0xa0: {  	s5 =	ssub.s32 $0x0, s20;
	[sflag:s22] =	ssyncset.done $0x0  }
0xa1: {  	[sflag:s22] =	ssyncadd.s32 s5;
	_ =	sdelay $0x1  }
0xa2: {  	s23 =	simm.s32 $0x1B8B  }
0xa3: {  	_ =	swait.ge [sflag:s23], $0x1  }
0xa4: {  	[sflag:s23] =	ssyncset.done $0x0  }
0xa5: {  	s25 =	simm.s32 $0x1B8E;
	s24 =	sld [smem:$0x3FFE];
	[sflag:s23] =	ssyncadd.s32 $0xFFFFFFFF  }
0xa6: {  	s26 =	simm.s32 $execute0_lowered;
	[smem:$0x3FD2] =	sst s25  }
0xa7: {  	s6 =	sshll.u32 s26, $0x1;
	_ =	strace $0x80000049;
	[dreg:$0x1] =	wrdreg $0xFFFFFFFF  }
0xa8: {  	s28 =	simm.s32 $_size_execute0_lowered;
	s4 =	sadd.s32 s4, s6;
	[dreg:$0x0] =	wrdreg $0x0  }
0xa9: {  	s6 =	sshll.u32 s28, $0x1;
	[dreg:$0x2] =	wrdreg s4  }
0xaa: {  	[dreg:$0x3] =	wrdreg s6  }
0xab: {  	[dreg:$0x4] =	wrdreg $0xC0  }
0xac: {  	_ =	task [dreg:s8], $0x5FFFF  }
0xad: {  	[dreg:$0x1] =	wrdreg $0xFFFFFFFF  }
0xae: {  	[dreg:$0x0] =	wrdreg $0x60  }
0xaf: {  	[dreg:$0x2] =	wrdreg s24  }
0xb0: {  	[dreg:$0x3] =	wrdreg s18  }
0xb1: {  	[dreg:$0x4] =	wrdreg s2  }
0xb2: {  	[dreg:$0x5] =	wrdreg $0x9  }
0xb3: {  	_ =	task.clear_ibuf [dreg:s8], $0x6FFFF;
	_ =	strace $0x90000049  }
0xb4: {  	s29 =	simm.s32 $0x9;
	_ =	strace $0x8000004B  }
0xb5: {  	_ =	swait.ge [sflag:s29], $0x1  }
0xb6: {  	[sflag:s29] =	ssyncadd.s32 $0xFFFFFFFF  }
0xb7: {  	_ =	strace $0x9000004B  }
0xb8: {  	_ =	sfence  }
0xb9: {  	s30 =	sld [smem:$0x0];
	_ =	sdelay $0x2  }
0xba: {  	s31 =	sshll.u32 s1, $0xD;
	s1 =	sshrl.u32 s1, $0x2  }
0xbb: {  	s3 =	sand.u32 $0x4000, s31;
	s1 =	sadd.s32 s1, s30  }
0xbc: {  	s0 =	sor.u32 s3, s0;
	s1 =	sshll.u32 s1, $0x11  }
0xbd: {  	s0 =	sor.u32 s1, s0  }
0xbe: {  	s0 =	sadd.s32 $0x8F2B, s0  }
0xbf: {  	[sflag:s0] =	ssyncadd.remote.s32 $0x1  }
0xc0: {  	_ =	sfence.sel $0xFFFF  }
0xc1: {  	[dreg:$0x0] =	wrdreg $0xFFFFFFFF;
	(pc) =	sbr.abs _section_cstart, $3  }
0xc2: {  	[dreg:$0x1] =	wrdreg $0xFFFFFFFF  }
0xc3: {  	_ =	task.clear_ibuf [dreg:s8], $0x2FFFF;
	_ =	strace $0x9FFFFFFF  }
0xc4: {  	(tm) =	ssettm $0x7FFFFFFF  }
0xc5: {  	_ =	shalt  }
tec
execute0_lowered:
.L_overlay_start_1:
0x0: {  	(tag) =	ssettag $0x1  }
0x1: {  	s7 =	rddreg [dreg:$0x0]  }
0x2: {  	s8 =	rddreg [dreg:$0x1]  }
0x3: {  	s1 =	rddreg [dreg:$0x2]  }
0x4: {  	s0 =	rddreg [dreg:$0x3]  }
0x5: {  	s3 =	simm.s32 $0x0;
	s4 =	srdreg.scid;
	s2 =	stileid.u32  }
0x6: {  	s12 =	simm.s32 $0x2;
	s13 =	simm.s32 $0x5630;
	s14 =	simm.s32 $0x0  }
0x7: {  	[smem:$0x7FF] =	sst s3;
	s5 =	sand.u32 $0x1, s4;
	s6 =	sshll.u32 s2, $0x6  }
.Ltmp0:
0x8: {  	s4 =	sadd.s32 $0x880E00, s7;
	s9 =	sshll.u32 s5, $0x5;
	(pc) =	sbr.rel .LBB2_1-.Ltmp0, $4  }
0x9: {  	_ =	strace $0x8000004A;
	s10 =	ssub.s32 $0x2, s5;
	s5 =	sor.u32 s9, s6  }
0xa: {  	s6 =	sadd.s32 $0x1080E00, s7;
	s31 =	sshrl.u32 s10, $0x1;
	s7 =	sadd.s32 $0xE00, s7  }
0xb: {  	v0 =	vimm.s32 $0x0;
	v1 =	vlaneseq.u32;
	s11 =	sshrl.u32 s5, $0x3;
	s9 =	ssub.s32 s10, s31;
	s10 =	simm.s32 $0x3  }
0xc: {  	vm0 =	vmmov $0xffff;
	v2 =	vimm.f32 $-1.000000020e+30;
	v3 =	vimm.f32 $0.0e+00;
	s8 =	sadd.s32 s8, s11;
	s9 =	smax.u32 s9, $0x1;
	s11 =	simm.s32 $0x1  }
.LBB2_39:
0xd: {  	s14 =	sadd.s32 $0x1, s14  }
0xe: {  	p0 =	sne.s32 s14, s9  }
.Ltmp1:
0xf: {  	_ = 	snop;
	(pc) =	sbr.rel @!p0 .LBB2_40-.Ltmp1, $1  }
0x10: {  	_ =	sdelay $0x3  }
.LBB2_1:
0x11: {  	[tilespmem:s3], [sflag:$0x3] =	stream.linear.gather [hbm4b:s8+s3], $0x20, $0x38;
	[tilespmem:$0x5A30] =	vst v63  }
0x12: {  	_ =	swait.ge [sflag:s10], $0x20  }
0x13: {  	[sflag:s10] =	ssyncset.done $0x0  }
0x14: {  	[sflag:s10] =	ssyncadd.s32 $0xFFFFFFE0  }
0x15: {  	[tilespmem:$0x1030] =	vst v0  }
0x16: {  	[tilespmem:$0x1040] =	vst v0  }
0x17: {  	[tilespmem:$0x1050] =	vst v0  }
0x18: {  	[tilespmem:$0x1060] =	vst v0  }
0x19: {  	[tilespmem:$0x1070] =	vst v0  }
0x1a: {  	[tilespmem:$0x1080] =	vst v0  }
0x1b: {  	[tilespmem:$0x1090] =	vst v0  }
0x1c: {  	[tilespmem:$0x10A0] =	vst v0  }
0x1d: {  	[tilespmem:$0x10B0] =	vst v0  }
0x1e: {  	[tilespmem:$0x10C0] =	vst v0  }
0x1f: {  	[tilespmem:$0x10D0] =	vst v0  }
0x20: {  	[tilespmem:$0x10E0] =	vst v0  }
0x21: {  	[tilespmem:$0x10F0] =	vst v0  }
0x22: {  	[tilespmem:$0x1100] =	vst v0  }
0x23: {  	[tilespmem:$0x1110] =	vst v0  }
0x24: {  	[tilespmem:$0x1120] =	vst v0  }
0x25: {  	[tilespmem:$0x1130] =	vst v0  }
0x26: {  	[tilespmem:$0x1140] =	vst v0  }
0x27: {  	[tilespmem:$0x1150] =	vst v0  }
0x28: {  	[tilespmem:$0x1160] =	vst v0  }
0x29: {  	[tilespmem:$0x1170] =	vst v0  }
0x2a: {  	[tilespmem:$0x1180] =	vst v0  }
0x2b: {  	[tilespmem:$0x1190] =	vst v0  }
0x2c: {  	[tilespmem:$0x11A0] =	vst v0  }
0x2d: {  	[tilespmem:$0x11B0] =	vst v0  }
0x2e: {  	[tilespmem:$0x11C0] =	vst v0  }
0x2f: {  	[tilespmem:$0x11D0] =	vst v0  }
.Ltmp2:
0x30: {  	[tilespmem:$0x11E0] =	vst v0;
	(pc) =	sbr.rel .LBB2_2-.Ltmp2, $4  }
0x31: {  	[tilespmem:$0x11F0] =	vst v0  }
0x32: {  	[tilespmem:$0x1200] =	vst v0  }
0x33: {  	[tilespmem:$0x1210] =	vst v0  }
0x34: {  	s15 =	simm.s32 $0x0;
	[tilespmem:$0x1220] =	vst v0  }
.LBB2_33:
0x35: {  	s18 =	simm.s32 $0x5430  }
.LBB2_37:
0x36: {  	v6 =	vmul.f32 $1.428571410e+01, v5;
	_ =	sdelay $0x1  }
0x37: {  	v6 =	vmul.f32 $1.442695020e+00, v6  }
0x38: {  	s18 =	sadd.s32 @p0 $0x10, s18  }
0x39: {  	s17 =	smov.u32 @p0 s18;
	(erf) = vpow2.f32 v6  }
0x3a: {  	v63 =	vld [tilespmem:s17+$0x0];
	_ =	sdelay $0x3  }
0x3b: {  	vm1 =	vge.f32 v5, v4  }
0x3c: {  	v4 =	vnsel vm1, $0x0, v63;
	_ =	sdelay $0x2  }
0x3d: {  	v5 =	vpop (erf)  }
0x3e: {  	v5 =	vnsel vm1, $0x0, v5  }
0x3f: {  	[tilespmem:v4+s13+$0x0] =	vst.idx.add.f32.msk $0xffff, v5  }
.LBB2_38:
0x40: {  	s15 =	sadd.s32 $0x1, s15  }
0x41: {  	s16 =	sshll.u32 s16, $0x7;
	p0 =	sne.s32 s15, $0x20  }
.Ltmp3:
0x42: {  	s16 =	sadd.s32 s7, s16;
	(pc) =	sbr.rel @!p0 .LBB2_39-.Ltmp3, $4  }
0x43: {  	[hbm4b:s16+s3] =	stream.linear.scatter [tilespmem:s13], [sflag:$0x3], $0x400, $0x38;
	[tilespmem:$0x5A30] =	vst v63  }
0x44: {  	_ =	swait.ge [sflag:s10], $0x400  }
0x45: {  	[sflag:s10] =	ssyncset.done $0x0  }
0x46: {  	[sflag:s10] =	ssyncadd.s32 $0xFFFFFC00  }
.LBB2_2:
0x47: {  	s16 =	sor.u32 s5, s15  }
0x48: {  	s17 =	sshll.u32 s16, $0x9  }
0x49: {  	s18 =	simm.s32 $0x0;
	s19 =	simm.s32 $0x30;
	s17 =	sadd.s32 s6, s17  }
0x4a: {  	[tilespmem:s19], [sflag:$0x3] =	stream.linear.gather [hbm4b:s17+s18], $0x1000, $0x38;
	[tilespmem:$0x5A30] =	vst v63  }
0x4b: {  	_ =	swait.ge [sflag:s10], $0x1000  }
0x4c: {  	[sflag:s10] =	ssyncset.done $0x0  }
0x4d: {  	[sflag:s10] =	ssyncadd.s32 $0xFFFFF000  }
0x4e: {  	v4 =	vld [tilespmem:s15+$0x0];
	_ =	sdelay $0x4  }
0x4f: {  	(v2sf) =	vpush v4, $0x0;
	_ =	sdelay $0xd  }
0x50: {  	v5 =	vld [tilespmem:s19+$0x0]  }
0x51: {  	s17 =	spop (v2sf)  }
0x52: {  	s30 =	sadd.f32 $-8.000000380e-03, s17;
	_ =	sdelay $0x1  }
0x53: {  	v4 =	vmov s30  }
0x54: {  	vm1 =	vge.f32 v5, v4  }
0x55: {  	v6 =	vmpcnt.ones.xlane vm1;
	_ =	sdelay $0x1  }
0x56: {  	(v2sf) =	vpush v6, $0x0;
	v6 =	vor.u32 s18, v1  }
0x57: {  	(xrf1) =	vsort.dscd.msk.f32 $0xffff, v5, v6;
	_ =	sdelay $0xd  }
0x58: {  	_, v5, _ =	vpop (xrf1)  }
0x59: {  	[tilespmem:s18+$0x1030] =	vst v5;
	s18 =	simm.s32 $0x40  }
0x5a: {  	v5 =	vld [tilespmem:s18+$0x0]  }
0x5b: {  	s31 =	spop (v2sf)  }
0x5c: {  	s20 =	simm.s32 $0x10;
	s21 =	sadd.s32 $0x0, s31  }
0x5d: {  	s19 =	simm.s32 $0x20;
	v6 =	vor.u32 s20, v1;
	p1 =	slt.s32 s21, $0x1F0  }
.LBB2_3:
0x5e: {  	p0 =	sne.s32 s19, $0xFF0  }
0x5f: {  	vm1 =	vge.f32 v5, v4;
	(xrf1) =	vsort.dscd.msk.f32 $0xffff, v5, v6;
	s21 =	simm.s32 @!p1 $0x1F0;
	s20 =	smov.u32 s19;
	s19 =	sadd.s32 $0x10, s19  }
0x60: {  	v5 =	vmpcnt.ones.xlane vm1;
	_ =	sdelay $0x1  }
0x61: {  	(v2sf) =	vpush v5, $0x0;
	_ =	sdelay $0xa  }
0x62: {  	_, v5, _ =	vpop (xrf1)  }
0x63: {  	s18 =	sadd.s32 $0x10, s18;
	[tilespmem:s21+$0x1030] =	vst v5  }
.Ltmp4:
0x64: {  	v5 =	vld [tilespmem:s18+$0x0];
	(pc) =	sbr.rel @p0 .LBB2_3-.Ltmp4, $4  }
0x65: {  	_ = 	snop  }
0x66: {  	s22 =	spop (v2sf)  }
0x67: {  	s21 =	sadd.s32 s21, s22  }
0x68: {  	v6 =	vor.u32 s20, v1;
	p1 =	slt.s32 s21, $0x1F0  }
0x69: {  	vm1 =	vge.f32 v5, v4  }
0x6a: {  	v4 =	vmpcnt.ones.xlane vm1;
	_ =	sdelay $0x1  }
0x6b: {  	(v2sf) =	vpush v4, $0x0;
	_ =	sdelay $0xe  }
0x6c: {  	s21 =	simm.s32 @!p1 $0x1F0;
	s18 =	spop (v2sf)  }
0x6d: {  	(xrf1) =	vsort.dscd.msk.f32 $0xffff, v5, v6;
	s18 =	sadd.s32 s21, s18  }
0x6e: {  	p0 =	slt.s32 s18, $0x1F0;
	s19 =	smov.u32 s18  }
0x6f: {  	s19 =	simm.s32 @!p0 $0x1F0  }
0x70: {  	s20 =	sadd.s32 $0xF, s19  }
0x71: {  	s22 =	sand.u32 $0xF, s20  }
0x72: {  	p6 =	slt.s32 s18, $0xFFFFFFF2;
	s31 =	sshra.s32 s20, $0x1F;
	p5 =	sne.s32 s22, $0x0  }
0x73: {  	s22 =	sshrl.u32 s31, $0x1C;
	p0 =	por !p6, !p5  }
0x74: {  	s20 =	sadd.s32 s22, s20;
	s22 =	simm.s32 $0x1;
	p0 =	por !p0, !p0  }
0x75: {  	s20 =	sshra.s32 s20, $0x4;
	s22 =	simm.s32 @!p0 $0x0  }
0x76: {  	s20 =	ssub.s32 s20, s22  }
0x77: {  	p0 =	slt.s32 s20, $0x1  }
.Ltmp5:
0x78: {  	_ = 	snop;
	(pc) =	sbr.rel @p0 .LBB2_11-.Ltmp5, $3  }
0x79: {  	_ =	sdelay $0x1  }
0x7a: {  	_, v4, _ =	vpop (xrf1)  }
0x7b: {  	[tilespmem:s21+$0x1030] =	vst v4  }
0x7c: {  	p1 =	seq.s32 s20, $0x1  }
.Ltmp6:
0x7d: {  	_ = 	snop;
	(pc) =	sbr.rel @p1 .LBB2_6-.Ltmp6, $3  }
0x7e: {  	_ =	sdelay $0x1  }
0x7f: {  	s21 =	sshll.u32 s16, $0xC;
	s22 =	simm.s32 $0x1230;
	s23 =	simm.s32 $0x1030  }
0x80: {  	p0 =	por $0x0, $0x0;
	v4 =	vmov s21;
	s21 =	simm.s32 $0x3230;
	v5 =	vld [tilespmem:s23+$0x0];
	s23 =	sadd.s32 $0xFFFFFFFF, s20  }
0x81: {  	_ =	sdelay $0x3  }
0x82: {  	v6 =	vadd.s32 v4, v5;
	_ =	sdelay $0x2  }
0x83: {  	p1 =	seq.s32 s23, $0x1  }
.Ltmp7:
0x84: {  	_ = 	snop;
	(pc) =	sbr.rel @p1 .LBB2_8-.Ltmp7, $4  }
0x85: {  	[tilespmem:s22], [sflag:$0x1] =	stream.indirect_vreg.gather [hbm4b:s4+s3], $0x10, v6, vm0, $0xb8;
	[tilespmem:$0x5A30] =	vst v63  }
0x86: {  	s25 =	simm.s32 $0x1040;
	s26 =	sadd.s32 $0xFFFFFFFF, s23  }
0x87: {  	[tilespmem:s21], [sflag:$0x2] =	stream.indirect_vreg.gather [hbm4b:s1+s3], $0x10, v5, vm0, $0xb8;
	[tilespmem:$0x5A30] =	vst v63  }
0x88: {  	p0 =	por $0x1, $0x1;
	s23 =	simm.s32 $0x1230;
	s24 =	simm.s32 $0x3230;
	v5 =	vld [tilespmem:s25+$0x0]  }
.LBB2_9:
0x89: {  	p1 =	seq.s32 s26, $0x1;
	_ =	sdelay $0x3  }
0x8a: {  	v6 =	vadd.s32 v4, v5;
	_ =	sdelay $0x3  }
.Ltmp8:
0x8b: {  	s23 =	sadd.s32 $0x100, s23;
	(pc) =	sbr.rel @!p1 .LBB2_9-.Ltmp8, $4  }
0x8c: {  	[tilespmem:s23], [sflag:$0x1] =	stream.indirect_vreg.gather [hbm4b:s4+s3], $0x10, v6, vm0, $0xb8;
	[tilespmem:$0x5A30] =	vst v63  }
0x8d: {  	s25 =	sadd.s32 $0x10, s25;
	s24 =	sadd.s32 $0x100, s24  }
0x8e: {  	[tilespmem:s24], [sflag:$0x2] =	stream.indirect_vreg.gather [hbm4b:s1+s3], $0x10, v5, vm0, $0xb8;
	[tilespmem:$0x5A30] =	vst v63  }
0x8f: {  	s26 =	sadd.s32 $0xFFFFFFFF, s26;
	v5 =	vld [tilespmem:s25+$0x0]  }
.LBB2_10:
0x90: {  	_ =	sdelay $0x3  }
0x91: {  	v4 =	vadd.s32 v4, v5;
	_ =	sdelay $0x2  }
0x92: {  	s23 =	sadd.s32 @p0 $0x100, s23  }
0x93: {  	s22 =	smov.u32 @p0 s23  }
0x94: {  	[tilespmem:s22], [sflag:$0x1] =	stream.indirect_vreg.gather [hbm4b:s4+s3], $0x10, v4, vm0, $0xb8;
	[tilespmem:$0x5A30] =	vst v63  }
0x95: {  	s22 =	sadd.s32 @p0 $0x100, s24  }
0x96: {  	s21 =	smov.u32 @p0 s22  }
0x97: {  	[tilespmem:s21], [sflag:$0x2] =	stream.indirect_vreg.gather [hbm4b:s1+s3], $0x10, v5, vm0, $0xb8;
	[tilespmem:$0x5A30] =	vst v63  }
.LBB2_11:
0x98: {  	[tilespmem:$0x5230] =	vst v2  }
0x99: {  	[tilespmem:$0x5240] =	vst v2  }
0x9a: {  	[tilespmem:$0x5250] =	vst v2  }
0x9b: {  	[tilespmem:$0x5260] =	vst v2  }
0x9c: {  	[tilespmem:$0x5270] =	vst v2  }
0x9d: {  	[tilespmem:$0x5280] =	vst v2  }
0x9e: {  	[tilespmem:$0x5290] =	vst v2  }
0x9f: {  	[tilespmem:$0x52A0] =	vst v2  }
0xa0: {  	[tilespmem:$0x52B0] =	vst v2  }
0xa1: {  	[tilespmem:$0x52C0] =	vst v2  }
0xa2: {  	[tilespmem:$0x52D0] =	vst v2  }
0xa3: {  	[tilespmem:$0x52E0] =	vst v2  }
0xa4: {  	[tilespmem:$0x52F0] =	vst v2  }
0xa5: {  	[tilespmem:$0x5300] =	vst v2  }
0xa6: {  	[tilespmem:$0x5310] =	vst v2  }
0xa7: {  	[tilespmem:$0x5320] =	vst v2  }
0xa8: {  	[tilespmem:$0x5330] =	vst v2  }
0xa9: {  	[tilespmem:$0x5340] =	vst v2  }
0xaa: {  	[tilespmem:$0x5350] =	vst v2  }
0xab: {  	[tilespmem:$0x5360] =	vst v2  }
0xac: {  	[tilespmem:$0x5370] =	vst v2  }
0xad: {  	[tilespmem:$0x5380] =	vst v2  }
0xae: {  	[tilespmem:$0x5390] =	vst v2  }
0xaf: {  	[tilespmem:$0x53A0] =	vst v2  }
0xb0: {  	[tilespmem:$0x53B0] =	vst v2  }
0xb1: {  	[tilespmem:$0x53C0] =	vst v2  }
0xb2: {  	[tilespmem:$0x53D0] =	vst v2;
	p0 =	sgt.s32 s20, $0x0  }
.Ltmp9:
0xb3: {  	[tilespmem:$0x53E0] =	vst v2;
	(pc) =	sbr.rel @!p0 .LBB2_12-.Ltmp9, $4  }
0xb4: {  	[tilespmem:$0x53F0] =	vst v2  }
0xb5: {  	[tilespmem:$0x5400] =	vst v2  }
0xb6: {  	[tilespmem:$0x5410] =	vst v2  }
0xb7: {  	[tilespmem:$0x5420] =	vst v2  }
0xb8: {  	p0 =	seq.s32 s20, $0x1  }
.Ltmp10:
0xb9: {  	_ =	swait.ge [sflag:s11], $0x100;
	(pc) =	sbr.rel @p0 .LBB2_16-.Ltmp10, $4  }
0xba: {  	[sflag:s11] =	ssyncset.done $0x0  }
0xbb: {  	[sflag:s11] =	ssyncadd.s32 $0xFFFFFF00  }
0xbc: {  	_ =	swait.ge [sflag:s12], $0x100  }
0xbd: {  	s20 =	sadd.s32 $0xFFFFFFFF, s20;
	[sflag:s12] =	ssyncset.done $0x0  }
.LBB2_15:
0xbe: {  	p0 =	seq.s32 s20, $0x1;
	s20 =	sadd.s32 $0xFFFFFFFF, s20;
	[sflag:s12] =	ssyncadd.s32 $0xFFFFFF00  }
.Ltmp11:
0xbf: {  	_ =	swait.ge [sflag:s11], $0x100;
	(pc) =	sbr.rel @!p0 .LBB2_15-.Ltmp11, $4  }
0xc0: {  	[sflag:s11] =	ssyncset.done $0x0  }
0xc1: {  	[sflag:s11] =	ssyncadd.s32 $0xFFFFFF00  }
0xc2: {  	_ =	swait.ge [sflag:s12], $0x100  }
0xc3: {  	[sflag:s12] =	ssyncset.done $0x0  }
.LBB2_16:
0xc4: {  	[sflag:s12] =	ssyncadd.s32 $0xFFFFFF00  }
.LBB2_12:
0xc5: {  	p0 =	slt.s32 s18, $0x1  }
.Ltmp12:
0xc6: {  	_ = 	snop;
	(pc) =	sbr.rel @p0 .LBB2_13-.Ltmp12, $2  }
0xc7: {  	_ =	sdelay $0x2  }
0xc8: {  	s17 =	sadd.f32 $-4.000000190e-03, s17;
	s18 =	simm.s32 $0x0  }
0xc9: {  	p1 =	sne.s32 s19, $0x1  }
.Ltmp13:
0xca: {  	_ = 	snop;
	(pc) =	sbr.rel @!p1 .LBB2_18-.Ltmp13, $4  }
0xcb: {  	_ = 	snop  }
0xcc: {  	s22 =	simm.s32 $0x1230  }
0xcd: {  	s21 =	simm.s32 $0x3230;
	v6 =	vld [tilespmem:s22+$0x0]  }
0xce: {  	s20 =	simm.s32 $0x0;
	v4 =	vimm.f32 $-1.000000020e+30;
	s23 =	sadd.s32 $0xFFFFFFFF, s19;
	p0 =	por $0x0, $0x0;
	v5 =	vmov s17;
	v7 =	vld [tilespmem:s21+$0x0]  }
0xcf: {  	_ =	sdelay $0x2  }
0xd0: {  	vm1 =	vge.f32 v6, v5;
	(xrf1) =	vsort.dscd.msk.f32 $0xffff, v6, v6  }
0xd1: {  	v8 =	vmpcnt.ones.xlane vm1;
	(xrf1) =	vsort.dscd.msk.f32 $0xffff, v6, v7;
	_ =	sdelay $0x1  }
0xd2: {  	(v2sf) =	vpush v8, $0x0;
	_ =	sdelay $0xa  }
0xd3: {  	_, v7, _ =	vpop (xrf1)  }
0xd4: {  	p1 =	sne.s32 s23, $0x1;
	[tilespmem:s20+$0x5230] =	vst v7;
	_, v7, _ =	vpop (xrf1)  }
.Ltmp14:
0xd5: {  	s21 =	simm.s32 $0x1240;
	[tilespmem:s20+$0x5430] =	vst v7;
	(pc) =	sbr.rel @!p1 .LBB2_21-.Ltmp14, $4  }
0xd6: {  	s22 =	simm.s32 $0x3240;
	v4 =	vmax.f32 v4, v6;
	v6 =	vld [tilespmem:s21+$0x0]  }
0xd7: {  	v7 =	vld [tilespmem:s22+$0x0];
	s19 =	spop (v2sf)  }
0xd8: {  	s19 =	sadd.s32 $0x0, s19  }
0xd9: {  	s23 =	sadd.s32 $0xFFFFFFFF, s23;
	p0 =	por $0x1, $0x1;
	p2 =	slt.s32 s19, $0x1F0  }
.LBB2_20:
0xda: {  	p1 =	sne.s32 s23, $0x1;
	s23 =	sadd.s32 $0xFFFFFFFF, s23;
	s19 =	simm.s32 @!p2 $0x1F0  }
0xdb: {  	vm1 =	vge.f32 v6, v5;
	v4 =	vmax.f32 v4, v6;
	(xrf1) =	vsort.dscd.msk.f32 $0xffff, v6, v6  }
0xdc: {  	v8 =	vmpcnt.ones.xlane vm1;
	(xrf1) =	vsort.dscd.msk.f32 $0xffff, v6, v7;
	_ =	sdelay $0x1  }
0xdd: {  	(v2sf) =	vpush v8, $0x0;
	_ =	sdelay $0xa  }
0xde: {  	_, v6, _ =	vpop (xrf1)  }
0xdf: {  	[tilespmem:s19+$0x5230] =	vst v6;
	_, v6, _ =	vpop (xrf1)  }
.Ltmp15:
0xe0: {  	s21 =	sadd.s32 $0x10, s21;
	[tilespmem:s19+$0x5430] =	vst v6;
	(pc) =	sbr.rel @p1 .LBB2_20-.Ltmp15, $4  }
0xe1: {  	s22 =	sadd.s32 $0x10, s22;
	v6 =	vld [tilespmem:s21+$0x0]  }
0xe2: {  	v7 =	vld [tilespmem:s22+$0x0];
	s24 =	spop (v2sf)  }
0xe3: {  	s19 =	sadd.s32 s19, s24  }
0xe4: {  	p2 =	slt.s32 s19, $0x1F0  }
.LBB2_21:
0xe5: {  	_ = 	snop  }
0xe6: {  	vm1 =	vge.f32 v6, v5  }
0xe7: {  	v5 =	vmpcnt.ones.xlane vm1;
	_ =	sdelay $0x1  }
0xe8: {  	(v2sf) =	vpush v5, $0x0;
	_ =	sdelay $0x1  }
0xe9: {  	(xrf1) =	vsort.dscd.msk.f32 $0xffff, v6, v6  }
0xea: {  	(xrf1) =	vsort.dscd.msk.f32 $0xffff, v6, v7;
	_ =	sdelay $0x9  }
0xeb: {  	p1 =	por !p2, !p0  }
.Ltmp16:
0xec: {  	s19 =	simm.s32 @p1 $0x1F0;
	(pc) =	sbr.rel .LBB2_22-.Ltmp16, $4  }
0xed: {  	s20 =	smov.u32 @p0 s19;
	s31 =	spop (v2sf)  }
0xee: {  	_, v5, _ =	vpop (xrf1);
	s19 =	sadd.s32 s20, s31  }
0xef: {  	[tilespmem:s20+$0x5230] =	vst v5;
	_, v5, _ =	vpop (xrf1);
	p0 =	slt.s32 s19, $0x1F0  }
0xf0: {  	v4 =	vmax.f32 v4, v6;
	[tilespmem:s20+$0x5430] =	vst v5;
	s19 =	simm.s32 @!p0 $0x1F0  }
.LBB2_13:
0xf1: {  	v4 =	vimm.f32 $-1.000000020e+30;
	s19 =	simm.s32 $0x0  }
.LBB2_22:
0xf2: {  	(xrf0) =	vmax.scan.msk.f32 $0xffff, v4;
	_ =	sdelay $0x5  }
0xf3: {  	v4, _, _ =	vpop (xrf0)  }
0xf4: {  	(v2sf) =	vpush v4, $0xF;
	_ =	sdelay $0x8  }
0xf5: {  	s20 =	sadd.s32 $0xF, s19  }
0xf6: {  	s21 =	sand.u32 $0xF, s20  }
0xf7: {  	p0 =	slt.s32 s19, $0xFFFFFFF2;
	s30 =	sshra.s32 s20, $0x1F;
	p1 =	sne.s32 s21, $0x0  }
.Ltmp17:
0xf8: {  	s19 =	sshrl.u32 s30, $0x1C;
	p0 =	por !p0, !p1;
	(pc) =	sbr.rel .LBB2_23-.Ltmp17, $4  }
0xf9: {  	s19 =	sadd.s32 s19, s20;
	s20 =	simm.s32 $0x1;
	p0 =	por !p0, !p0  }
0xfa: {  	s19 =	sshra.s32 s19, $0x4;
	s20 =	simm.s32 @!p0 $0x0  }
0xfb: {  	s19 =	ssub.s32 s19, s20;
	s31 =	spop (v2sf)  }
0xfc: {  	p0 =	slt.s32 s19, $0x1;
	s20 =	sadd.f32 $1.000000050e-03, s31  }
.LBB2_24:
0xfd: {  	v4 =	vimm.s32 $0x0  }
.LBB2_28:
0xfe: {  	(xrf0) =	vadd.scan.msk.s32 $0xffff, v4;
	_ =	sdelay $0x5  }
0xff: {  	v4, _, _ =	vpop (xrf0)  }
0x100: {  	(v2sf) =	vpush v4, $0xF;
	_ =	sdelay $0xe  }
0x101: {  	s22 =	spop (v2sf)  }
0x102: {  	s18 =	sadd.s32 $0x1, s18;
	p1 =	sgt.s32 s22, $0xC7  }
0x103: {  	s17 =	smov.u32 @p1 s21;
	s21 =	smov.u32 @p1 s20;
	p1 =	seq.s32 s18, $0x1A  }
.Ltmp18:
0x104: {  	_ = 	snop;
	(pc) =	sbr.rel @p1 .LBB2_29-.Ltmp18, $2  }
0x105: {  	_ =	sdelay $0x2  }
0x106: {  	s20 =	smov.u32 s21  }
.LBB2_23:
.Ltmp19:
0x107: {  	(pc) =	sbr.rel @p0 .LBB2_24-.Ltmp19, $3  }
0x108: {  	_ = 	snop  }
0x109: {  	s21 =	sadd.f32 s20, s17;
	_ =	sdelay $0x1  }
0x10a: {  	s21 =	smul.f32 $5.000000000e-01, s21  }
0x10b: {  	s22 =	simm.s32 $0x5230  }
0x10c: {  	p1 =	sne.s32 s19, $0x1;
	v6 =	vld [tilespmem:s22+$0x0]  }
.Ltmp20:
0x10d: {  	_ = 	snop;
	(pc) =	sbr.rel @!p1 .LBB2_27-.Ltmp20, $3  }
0x10e: {  	_ =	sdelay $0x1  }
0x10f: {  	v5 =	vmov s21  }
0x110: {  	v4 =	vimm.s32 $0x0;
	s23 =	simm.s32 $0x5240;
	s22 =	sadd.s32 $0xFFFFFFFF, s19;
	vm1 =	vge.f32 v6, v5  }
.LBB2_26:
0x111: {  	v6 =	vld [tilespmem:s23+$0x0];
	p1 =	sne.s32 s22, $0x1;
	s22 =	sadd.s32 $0xFFFFFFFF, s22;
	v7 =	vsel vm1, $0x1, v0  }
.Ltmp21:
0x112: {  	v4 =	vadd.s32 v7, v4;
	(pc) =	sbr.rel @p1 .LBB2_26-.Ltmp21, $2  }
0x113: {  	_ =	sdelay $0x2  }
0x114: {  	s23 =	sadd.s32 $0x10, s23;
	vm1 =	vge.f32 v6, v5  }
.LBB2_27:
.Ltmp22:
0x115: {  	(pc) =	sbr.rel .LBB2_28-.Ltmp22, $3  }
0x116: {  	_ =	sdelay $0x1  }
0x117: {  	v5 =	vsel vm1, $0x1, v0  }
0x118: {  	v4 =	vadd.s32 v5, v4  }
.LBB2_29:
0x119: {  	s18 =	simm.s32 $0x40;
	s20 =	simm.s32 $0x0  }
.LBB2_30:
0x11a: {  	p1 =	seq.s32 s18, $0xFC0;
	[tilespmem:s20+$0x5630] =	vst v3;
	s20 =	smov.u32 s18;
	s18 =	sadd.s32 $0x40, s18  }
.Ltmp23:
0x11b: {  	(pc) =	sbr.rel @!p1 .LBB2_30-.Ltmp23, $2  }
0x11c: {  	_ =	sdelay $0x2  }
0x11d: {  	s20 =	sshra.s32 s20, $0x2  }
.Ltmp24:
0x11e: {  	(pc) =	sbr.rel @p0 .LBB2_38-.Ltmp24, $2  }
0x11f: {  	_ =	sdelay $0x2  }
0x120: {  	[tilespmem:s20+$0x5630] =	vst v3  }
0x121: {  	s18 =	simm.s32 $0x5230;
	p1 =	sne.s32 s19, $0x1  }
.Ltmp25:
0x122: {  	v5 =	vld [tilespmem:s18+$0x0];
	(pc) =	sbr.rel @!p1 .LBB2_33-.Ltmp25, $2  }
0x123: {  	_ =	sdelay $0x2  }
0x124: {  	v4 =	vmov s17;
	s17 =	simm.s32 $0x5430;
	p0 =	por $0x0, $0x0;
	s18 =	sadd.s32 $0xFFFFFFFF, s19  }
0x125: {  	v6 =	vmul.f32 $1.428571410e+01, v5;
	_ =	sdelay $0x1  }
0x126: {  	v6 =	vmul.f32 $1.442695020e+00, v6;
	_ =	sdelay $0x1  }
0x127: {  	(erf) = vpow2.f32 v6  }
0x128: {  	v6 =	vld [tilespmem:s17+$0x0];
	_ =	sdelay $0x3  }
0x129: {  	vm1 =	vge.f32 v5, v4  }
0x12a: {  	v5 =	vnsel vm1, $0x0, v6;
	_ =	sdelay $0x2  }
0x12b: {  	v6 =	vpop (erf)  }
0x12c: {  	v6 =	vnsel vm1, $0x0, v6  }
0x12d: {  	p1 =	sne.s32 s18, $0x1;
	s19 =	simm.s32 $0x5240;
	[tilespmem:v5+s13+$0x0] =	vst.idx.add.f32.msk $0xffff, v6  }
.Ltmp26:
0x12e: {  	v5 =	vld [tilespmem:s19+$0x0];
	(pc) =	sbr.rel @!p1 .LBB2_35-.Ltmp26, $2  }
0x12f: {  	_ =	sdelay $0x2  }
0x130: {  	s20 =	sadd.s32 $0xFFFFFFFF, s18;
	p0 =	por $0x1, $0x1;
	s18 =	simm.s32 $0x5430  }
.LBB2_36:
0x131: {  	p1 =	sne.s32 s20, $0x1;
	_ =	sdelay $0x3  }
0x132: {  	v6 =	vmul.f32 $1.428571410e+01, v5;
	_ =	sdelay $0x1  }
0x133: {  	v6 =	vmul.f32 $1.442695020e+00, v6;
	_ =	sdelay $0x1  }
0x134: {  	s18 =	sadd.s32 $0x10, s18;
	(erf) = vpow2.f32 v6  }
0x135: {  	v6 =	vld [tilespmem:s18+$0x0];
	_ =	sdelay $0x3  }
0x136: {  	vm1 =	vge.f32 v5, v4  }
0x137: {  	v5 =	vnsel vm1, $0x0, v6;
	_ =	sdelay $0x1  }
.Ltmp27:
0x138: {  	(pc) =	sbr.rel @p1 .LBB2_36-.Ltmp27, $4  }
0x139: {  	v6 =	vpop (erf)  }
0x13a: {  	v6 =	vnsel vm1, $0x0, v6  }
0x13b: {  	s19 =	sadd.s32 $0x10, s19;
	[tilespmem:v5+s13+$0x0] =	vst.idx.add.f32.msk $0xffff, v6  }
0x13c: {  	s20 =	sadd.s32 $0xFFFFFFFF, s20;
	v5 =	vld [tilespmem:s19+$0x0]  }
.Ltmp28:
0x13d: {  	_ = 	snop;
	(pc) =	sbr.rel .LBB2_37-.Ltmp28, $1  }
0x13e: {  	_ =	sdelay $0x3  }
.LBB2_6:
.Ltmp29:
0x13f: {  	(pc) =	sbr.rel .LBB2_10-.Ltmp29, $2  }
0x140: {  	_ =	sdelay $0x2  }
0x141: {  	s23 =	simm.s32 $0x1230;
	s24 =	simm.s32 $0x3230  }
.LBB2_18:
.Ltmp30:
0x142: {  	(pc) =	sbr.rel .LBB2_21-.Ltmp30, $2  }
0x143: {  	_ =	sdelay $0x2  }
0x144: {  	_ = 	snop  }
.LBB2_8:
.Ltmp31:
0x145: {  	(pc) =	sbr.rel .LBB2_10-.Ltmp31, $2  }
0x146: {  	_ =	sdelay $0x2  }
0x147: {  	s23 =	simm.s32 $0x1230;
	s24 =	simm.s32 $0x3230  }
.LBB2_35:
.Ltmp32:
0x148: {  	(pc) =	sbr.rel .LBB2_37-.Ltmp32, $2  }
0x149: {  	_ =	sdelay $0x2  }
0x14a: {  	s18 =	simm.s32 $0x5430  }
.LBB2_40:
0x14b: {  	_ =	sfence.sel $0x180000  }
0x14c: {  	[bflag:$0x0] =	sbarrier.arrive $0xFFFF  }
0x14d: {  	p0 =	sne.s32 s2, $0x0;
	_ =	strace $0x9000004A  }
0x14e: {  	s0 =	sadd.s32 @!p0 $0x100000, s0;
	[bflag:$0x2] =	sbarrier.arrive $0xFFFF  }
0x14f: {  	[sflag:s0] =	ssyncadd.tile.s32 @!p0 $0x1;
	_ =	shalt  }
.Lfunc_end2:
_tile_overlayer_lowered:
.L_overlay_start_2:
0x150: {  	(tag) =	ssettag $0x2  }
0x151: {  	s0 =	rddreg [dreg:$0x0];
	s2 =	stileid.u32  }
0x152: {  	s1 =	rddreg [dreg:$0x1];
	p0 =	sne.s32 s2, $0x0  }
0x153: {  	s3 =	rddreg [dreg:$0x2];
	[bflag:$0x3] =	sbarrier.arrive $0xFFFF;
	s2 =	simm.s32 @!p0 $0x1C03  }
0x154: {  	[timem:s3], [sflag:s2] =	dma.local @!p0 [hbm:s0], s1  }
0x155: {  	s0 =	simm.s32 @!p0 $0x3  }
0x156: {  	_ =	swait.ge @!p0 [sflag:s0], s1  }
0x157: {  	s1 =	ssub.s32 @!p0 $0x0, s1;
	[sflag:s0] =	ssyncset.done @!p0 $0x0  }
0x158: {  	[sflag:s0] =	ssyncadd.s32 @!p0 s1  }
0x159: {  	[bflag:$0x3] =	sbarrier.arrive $0xFFFF  }
0x15a: {  	_ =	shalt  }

// kernel: sparse-core-data-format-call.cloned.1.call-start
scs
called_computation_lowered:
.L_overlay_start_0:
0x0: {  	s1 =	sld [smem:$0x3FD9]  }
0x1: {  	s2 =	sld [smem:$0x3FFE];
	_ =	sdelay $0x1  }
0x2: {  	s3 =	srdreg.scid  }
0x3: {  	s0 =	sand.u32 $0x1, s3  }
0x4: {  	s17 =	sshll.u32 s0, $0xA;
	s1 =	sadd.s32 s2, s1  }
0x5: {  	s1 =	sadd.s32 s1, s17  }
0x6: {  	[smem:$0x3FC5] =	sst s1  }
0x7: {  	_ = 	snop  }
0x8: {  	(tm) =	ssettm $0x1  }
0x9: {  	s18 =	sld [smem:$0x3FFB];
	_ =	sdelay $0x3  }
0xa: {  	_ =	strace s18  }
0xb: {  	s1 =	sld [smem:$0x3FFC];
	_ =	sdelay $0x3  }
0xc: {  	_ =	strace s1  }
0xd: {  	s1 =	sld [smem:$0x3FFD];
	_ =	sdelay $0x3  }
0xe: {  	_ =	strace s1  }
0xf: {  	_ =	strace $0x8FFFFFFF  }
0x10: {  	s19 =	sld [smem:$0x3FDB];
	_ =	sdelay $0x1  }
0x11: {  	s20 =	simm.s32 $_scs_section_size  }
0x12: {  	s4 =	simm.s32 $_size__tile_overlayer_lowered;
	s5 =	simm.s32 $_tile_overlayer_lowered  }
0x13: {  	s23 =	simm.s32 $0x1BFF;
	s22 =	sshll.u32 s5, $0x1;
	s1 =	sadd.s32 s20, s19  }
0x14: {  	s6 =	simm.s32 $0x0;
	s21 =	sshll.u32 s4, $0x1;
	s4 =	sadd.s32 s22, s1  }
0x15: {  	[timem:s6], [sflag:s23] =	dma.local [hbm:s4], s21  }
0x16: {  	_ =	swait.ge [sflag:s23], s21  }
0x17: {  	s2 =	ssub.s32 $0x0, s21;
	[sflag:s23] =	ssyncset.done $0x0  }
0x18: {  	[sflag:s23] =	ssyncadd.s32 s2;
	_ =	sdelay $0x1  }
0x19: {  	s24 =	simm.s32 $0x1B8B  }
0x1a: {  	_ =	swait.ge [sflag:s24], $0x1  }
0x1b: {  	[sflag:s24] =	ssyncset.done $0x0  }
0x1c: {  	s26 =	simm.s32 $0x1B8E;
	s25 =	sld [smem:$0x3FFE];
	[sflag:s24] =	ssyncadd.s32 $0xFFFFFFFF  }
0x1d: {  	s27 =	simm.s32 $execute0_lowered;
	[smem:$0x3FD2] =	sst s26  }
0x1e: {  	s4 =	sshll.u32 s27, $0x1;
	_ =	strace $0x80000046;
	[dreg:$0x1] =	wrdreg $0xFFFFFFFF  }
0x1f: {  	s28 =	simm.s32 $_size_execute0_lowered;
	s1 =	sadd.s32 s1, s4;
	[dreg:$0x0] =	wrdreg $0x0  }
0x20: {  	s4 =	sshll.u32 s28, $0x1;
	[dreg:$0x2] =	wrdreg s1  }
0x21: {  	[dreg:$0x3] =	wrdreg s4  }
0x22: {  	[dreg:$0x4] =	wrdreg $0xC0  }
0x23: {  	_ =	task [dreg:s6], $0x5FFFF  }
0x24: {  	[dreg:$0x1] =	wrdreg $0xFFFFFFFF  }
0x25: {  	[dreg:$0x0] =	wrdreg $0x60  }
0x26: {  	[dreg:$0x2] =	wrdreg s25  }
0x27: {  	[dreg:$0x3] =	wrdreg $0x9  }
0x28: {  	_ =	task.clear_ibuf [dreg:s6], $0x4FFFF;
	_ =	strace $0x90000046  }
0x29: {  	s29 =	simm.s32 $0x9;
	_ =	strace $0x80000048  }
0x2a: {  	_ =	swait.ge [sflag:s29], $0x1  }
0x2b: {  	[sflag:s29] =	ssyncadd.s32 $0xFFFFFFFF  }
0x2c: {  	_ =	strace $0x90000048  }
0x2d: {  	_ =	sfence  }
0x2e: {  	s30 =	sld [smem:$0x0];
	_ =	sdelay $0x2  }
0x2f: {  	s31 =	sshll.u32 s3, $0xD;
	s3 =	sshrl.u32 s3, $0x2  }
0x30: {  	s2 =	sand.u32 $0x4000, s31;
	s1 =	sadd.s32 s3, s30  }
0x31: {  	s0 =	sor.u32 s2, s0;
	s1 =	sshll.u32 s1, $0x11  }
0x32: {  	s0 =	sor.u32 s1, s0  }
0x33: {  	s0 =	sadd.s32 $0x8F2B, s0  }
0x34: {  	[sflag:s0] =	ssyncadd.remote.s32 $0x1  }
0x35: {  	_ =	sfence.sel $0xFFFF  }
0x36: {  	[dreg:$0x0] =	wrdreg $0xFFFFFFFF;
	(pc) =	sbr.abs _section_cstart, $3  }
0x37: {  	[dreg:$0x1] =	wrdreg $0xFFFFFFFF  }
0x38: {  	_ =	task.clear_ibuf [dreg:s6], $0x2FFFF;
	_ =	strace $0x9FFFFFFF  }
0x39: {  	(tm) =	ssettm $0x7FFFFFFF  }
tec
execute0_lowered:
.L_overlay_start_1:
0x0: {  	(tag) =	ssettag $0x1  }
0x1: {  	s1 =	rddreg [dreg:$0x0]  }
0x2: {  	s0 =	rddreg [dreg:$0x1]  }
0x3: {  	_ =	strace $0x80000047;
	s4 =	srdreg.scid;
	s6 =	simm.s32 $0x2  }
0x4: {  	s11 =	simm.s32 $0x0;
	p0 =	por $0x0, $0x0;
	s7 =	simm.s32 $0x10000  }
.Ltmp0:
0x5: {  	s12 =	simm.s32 $0x0;
	s9 =	simm.s32 $0x0;
	(pc) =	sbr.rel .LBB1_1-.Ltmp0, $4  }
0x6: {  	s2 =	sadd.s32 $0xE00, s1;
	s3 =	sadd.s32 $0x880E00, s1;
	s5 =	sshll.u32 s4, $0x4  }
0x7: {  	s1 =	stileid.u32;
	s4 =	simm.s32 $0x1;
	s5 =	sand.u32 $0x10, s5  }
0x8: {  	s8 =	simm.s32 $0x0;
	[sflag:s4] =	ssyncpa.u1 $0x0;
	s5 =	sor.u32 s1, s5  }
0x9: {  	[sflag:s6] =	ssyncpa.u1 $0x0;
	s6 =	simm.s32 $0x800;
	s10 =	smov.u32 s5  }
.LBB1_7:
0xa: {  	s13 =	sadd.s32 $0x10, s9  }
0xb: {  	s11 =	sadd.s32 $0x20, s10;
	s15 =	smov.u32 s10;
	p2 =	sgt.s32 s13, $0x1FF  }
0xc: {  	p1 =	slt.u32 s8, $0x2;
	s15 =	smov.u32 @p2 s11  }
0xd: {  	s8 =	sadd.s32 $0x1, s8;
	s13 =	simm.s32 @p2 $0x0;
	p2 =	sgt.s32 s15, $0x7F  }
0xe: {  	s15 =	smov.u32 @p2 s5;
	p2 =	sne.s32 s8, $0x82  }
.Ltmp1:
0xf: {  	_ = 	snop;
	(pc) =	sbr.rel @!p2 .LBB1_8-.Ltmp1, $4  }
0x10: {  	s14 =	simm.s32 @!p1 $0x2  }
0x11: {  	s12 =	smov.u32 s10;
	_ =	swait.ge @!p1 [sflag:s14], $0x4000  }
0x12: {  	p0 =	por !p0, !p0;
	s11 =	smov.u32 s9;
	[sflag:s14] =	ssyncset.done @!p1 $0x0  }
0x13: {  	s9 =	smov.u32 s13;
	[sflag:s14] =	ssyncadd.s32 @!p1 $0xFFFFC000;
	s10 =	smov.u32 s15  }
.LBB1_1:
0x14: {  	p1 =	sgt.u32 s8, $0x7F  }
0x15: {  	s13 =	sxor.u32 @!p1 $0xFFFFFFFF, s8;
	s14 =	sshll.u32 @!p1 s10, $0x10  }
0x16: {  	s15 =	sshll.u32 @!p1 s9, $0x7;
	s13 =	sshll.u32 @!p1 s13, $0xE;
	s14 =	sadd.s32 @!p1 s2, s14  }
0x17: {  	s13 =	sand.u32 @!p1 $0x4000, s13;
	s14 =	sadd.s32 @!p1 s15, s14;
	s15 =	simm.s32 @!p1 $0x0  }
0x18: {  	[tilespmem:s13], [sflag:$0x1] =	stream.linear.gather @!p1 [hbm4b:s14+s15], $0x4000, $0x38;
	[tilespmem:$0x10000] =	vst v63  }
0x19: {  	p1 =	seq.s32 s8, $0x0  }
0x1a: {  	p2 =	seq.s32 @!p1 s8, $0x81  }
0x1b: {  	p1 =	por p1, p2  }
.Ltmp2:
0x1c: {  	_ = 	snop;
	(pc) =	sbr.rel @p1 .LBB1_7-.Ltmp2, $1  }
0x1d: {  	_ =	sdelay $0x3  }
0x1e: {  	s13 =	simm.s32 $0x1;
	_ =	swait.ge [sflag:s4], $0x4000;
	s16 =	sshll.u32 s8, $0xE  }
0x1f: {  	s13 =	simm.s32 @!p0 $0x0;
	[sflag:s4] =	ssyncset.done $0x0;
	s31 =	sand.u32 $0x4000, s16  }
0x20: {  	s16 =	simm.s32 $0x0;
	s14 =	sshll.u32 s13, $0xE;
	[sflag:s4] =	ssyncadd.s32 $0xFFFFC000  }
0x21: {  	s13 =	sor.u32 $0x8040, s14;
	s15 =	sor.u32 $0x40, s14;
	s14 =	sor.u32 $0x8000, s31  }
.LBB1_3:
0x22: {  	v0 =	vmov s15;
	_ =	sdelay $0x3  }
0x23: {  	s18 =	simm.s32 $0x0  }
0x24: {  	v6 =	vld.idx.msk [tilespmem:v0+s18+$0x30 ss:$0x1], $0xffff  }
0x25: {  	v7 =	vld.idx.msk [tilespmem:v0+s18+$0xFFFFFFC0 ss:$0x1], $0xffff  }
0x26: {  	v5 =	vld.idx.msk [tilespmem:v0+s18+$0xFFFFFFD0 ss:$0x1], $0xffff  }
0x27: {  	v4 =	vld.idx.msk [tilespmem:v0+s18+$0xFFFFFFE0 ss:$0x1], $0xffff  }
0x28: {  	v3 =	vld.idx.msk [tilespmem:v0+s18+$0xFFFFFFF0 ss:$0x1], $0xffff  }
0x29: {  	v1 =	vld.idx.msk [tilespmem:v0+s18+$0x0 ss:$0x1], $0xffff  }
0x2a: {  	v2 =	vld.idx.msk [tilespmem:v0+s18+$0x10 ss:$0x1], $0xffff;
	[tilespmem:s13+$0x30] =	vst v6  }
0x2b: {  	s17 =	simm.s32 $0x80;
	s19 =	simm.s32 $0x400;
	[tilespmem:s13+$0xFFFFFFC0] =	vst v7;
	v6 =	vld.idx.msk [tilespmem:v0+s18+$0x20 ss:$0x1], $0xffff;
	s18 =	smov.u32 s13  }
.LBB1_4:
0x2c: {  	p1 =	sne.s32 s19, $0xE00;
	v7 =	vld.idx.msk [tilespmem:v0+s17+$0x30 ss:$0x1], $0xffff;
	[tilespmem:s18+$0xFFFFFFD0] =	vst v5  }
0x2d: {  	v8 =	vld.idx.msk [tilespmem:v0+s17+$0xFFFFFFC0 ss:$0x1], $0xffff;
	[tilespmem:s18+$0xFFFFFFE0] =	vst v4  }
0x2e: {  	v5 =	vld.idx.msk [tilespmem:v0+s17+$0xFFFFFFD0 ss:$0x1], $0xffff;
	[tilespmem:s18+$0xFFFFFFF0] =	vst v3  }
.Ltmp3:
0x2f: {  	v4 =	vld.idx.msk [tilespmem:v0+s17+$0xFFFFFFE0 ss:$0x1], $0xffff;
	[tilespmem:s18+$0x0] =	vst v1;
	(pc) =	sbr.rel @p1 .LBB1_4-.Ltmp3, $4  }
0x30: {  	v3 =	vld.idx.msk [tilespmem:v0+s17+$0xFFFFFFF0 ss:$0x1], $0xffff;
	[tilespmem:s18+$0x10] =	vst v2  }
0x31: {  	v1 =	vld.idx.msk [tilespmem:v0+s17+$0x0 ss:$0x1], $0xffff;
	[tilespmem:s18+$0x20] =	vst v6;
	s18 =	sadd.s32 $0x800, s18  }
0x32: {  	v2 =	vld.idx.msk [tilespmem:v0+s17+$0x10 ss:$0x1], $0xffff;
	[tilespmem:s18+$0x30] =	vst v7  }
0x33: {  	[tilespmem:s18+$0xFFFFFFC0] =	vst v8;
	v6 =	vld.idx.msk [tilespmem:v0+s17+$0x20 ss:$0x1], $0xffff;
	s17 =	sshra.s32 s19, $0x2;
	s19 =	sadd.s32 $0x200, s19  }
0x34: {  	_ =	sdelay $0x2  }
0x35: {  	[tilespmem:s18+$0xFFFFFFD0] =	vst v5  }
0x36: {  	v56 =	vld.idx.msk [tilespmem:v0+s17+$0x30 ss:$0x1], $0xffff;
	[tilespmem:s18+$0xFFFFFFE0] =	vst v4  }
0x37: {  	v57 =	vld.idx.msk [tilespmem:v0+s17+$0xFFFFFFC0 ss:$0x1], $0xffff;
	[tilespmem:s18+$0xFFFFFFF0] =	vst v3  }
0x38: {  	v58 =	vld.idx.msk [tilespmem:v0+s17+$0xFFFFFFD0 ss:$0x1], $0xffff;
	[tilespmem:s18+$0x0] =	vst v1  }
0x39: {  	v59 =	vld.idx.msk [tilespmem:v0+s17+$0xFFFFFFE0 ss:$0x1], $0xffff;
	[tilespmem:s18+$0x10] =	vst v2  }
0x3a: {  	v60 =	vld.idx.msk [tilespmem:v0+s17+$0xFFFFFFF0 ss:$0x1], $0xffff;
	s31 =	sadd.s32 $0x800, s18;
	[tilespmem:s18+$0x20] =	vst v6  }
0x3b: {  	v61 =	vld.idx.msk [tilespmem:v0+s17+$0x0 ss:$0x1], $0xffff;
	[tilespmem:s31+$0x30] =	vst v56  }
0x3c: {  	v62 =	vld.idx.msk [tilespmem:v0+s17+$0x10 ss:$0x1], $0xffff;
	s16 =	sadd.s32 $0x1, s16;
	[tilespmem:s31+$0xFFFFFFC0] =	vst v57  }
0x3d: {  	v63 =	vld.idx.msk [tilespmem:v0+s17+$0x20 ss:$0x1], $0xffff;
	p1 =	sne.s32 s16, $0x10;
	[tilespmem:s31+$0xFFFFFFD0] =	vst v58  }
.Ltmp4:
0x3e: {  	[tilespmem:s31+$0xFFFFFFE0] =	vst v59;
	(pc) =	sbr.rel @p1 .LBB1_3-.Ltmp4, $4  }
0x3f: {  	[tilespmem:s31+$0xFFFFFFF0] =	vst v60  }
0x40: {  	[tilespmem:s31+$0x0] =	vst v61  }
0x41: {  	[tilespmem:s31+$0x10] =	vst v62  }
0x42: {  	s13 =	sadd.s32 $0x80, s13;
	s15 =	sadd.s32 $0x400, s15;
	[tilespmem:s31+$0x20] =	vst v63  }
.Ltmp5:
0x43: {  	(pc) =	sbr.rel .LBB1_7-.Ltmp5, $4  }
0x44: {  	s12 =	sshll.u32 s12, $0x10;
	s11 =	sshll.u32 s11, $0x4  }
0x45: {  	s11 =	sand.u32 $0x1FF0, s11;
	s12 =	sadd.s32 s3, s12  }
0x46: {  	s11 =	sadd.s32 s11, s12  }
0x47: {  	[hbm4b:s11+s6] =	stream.strided.scatter [tilespmem:s14], [sflag:$0x2], $0x4000, s7, s6, $0x38;
	[tilespmem:$0x10000] =	vst v63  }
.LBB1_8:
0x48: {  	_ =	sfence.sel $0x180000  }
0x49: {  	s2 =	simm.s32 $0x1;
	[bflag:$0x0] =	sbarrier.arrive $0xFFFF  }
0x4a: {  	s31 =	simm.s32 $0x2;
	[sflag:s2] =	ssyncpa.u1 $0x1  }
0x4b: {  	[sflag:s31] =	ssyncpa.u1 $0x1  }
0x4c: {  	p0 =	sne.s32 s1, $0x0;
	_ =	strace $0x90000047  }
0x4d: {  	s0 =	sadd.s32 @!p0 $0x100000, s0;
	[bflag:$0x2] =	sbarrier.arrive $0xFFFF  }
0x4e: {  	[sflag:s0] =	ssyncadd.tile.s32 @!p0 $0x1;
	_ =	shalt  }
.Lfunc_end1:
_tile_overlayer_lowered:
.L_overlay_start_2:
0x4f: {  	(tag) =	ssettag $0x2  }
0x50: {  	s0 =	rddreg [dreg:$0x0];
	s2 =	stileid.u32  }
0x51: {  	s1 =	rddreg [dreg:$0x1];
	p0 =	sne.s32 s2, $0x0  }
0x52: {  	s3 =	rddreg [dreg:$0x2];
	[bflag:$0x3] =	sbarrier.arrive $0xFFFF;
	s2 =	simm.s32 @!p0 $0x1C01  }
0x53: {  	[timem:s3], [sflag:s2] =	dma.local @!p0 [hbm:s0], s1  }
0x54: {  	s0 =	simm.s32 @!p0 $0x1  }
0x55: {  	_ =	swait.ge @!p0 [sflag:s0], s1  }
0x56: {  	s1 =	ssub.s32 @!p0 $0x0, s1;
	[sflag:s0] =	ssyncset.done @!p0 $0x0  }
0x57: {  	[sflag:s0] =	ssyncadd.s32 @!p0 s1  }
0x58: {  	[bflag:$0x3] =	sbarrier.arrive $0xFFFF  }
0x59: {  	_ =	shalt  }

</sc_bundles>
